<compile_context>
chip_gen: v7x
topology: tpu7x:2x2x1
jax: 0.10.2.dev20260603
libtpu: 0.0.44.dev20260713+nightly
codegen_flags: <defaults>
</compile_context>

<pallas_src>
import functools

import jax
import jax.numpy as jnp
from jax import lax
from jax.experimental import pallas as pl
from jax.experimental.pallas import tpu as pltpu
from jax.experimental.pallas import tpu_sc as plsc

_VOCAB = 1000
_C = 64
_CP = 128
_T = 8
_B = 4096

_NC = 2
_NS = 16
_NW = _NC * _NS
_ROWS = _B * _T
_RPW = _ROWS // _NW
_CHUNK = 128
_NCHUNK = _RPW // _CHUNK

_RB = 128


def _sc_gather(tok_pad, idx2):
    mesh = plsc.VectorSubcoreMesh(core_axis_name="c", subcore_axis_name="s")

    @functools.partial(
        pl.kernel,
        mesh=mesh,
        out_type=jax.ShapeDtypeStruct((_ROWS, _CP), jnp.float32),
        scratch_types=[
            pltpu.VMEM((_NCHUNK, _CHUNK), jnp.int32),
            pltpu.VMEM((2, _CHUNK, _CP), jnp.float32),
            pltpu.SemaphoreType.DMA,
            pltpu.SemaphoreType.DMA,
        ],
    )
    def k(tok_hbm, idx_hbm, out_hbm, idx_v, buf, sem0, sem1):
        wid = lax.axis_index("s") * _NC + lax.axis_index("c")
        base = wid * _NCHUNK
        pltpu.sync_copy(idx_hbm.at[pl.ds(base, _NCHUNK)], idx_v)
        sems = [sem0, sem1]
        copies = [None, None]
        copies[0] = pltpu.async_copy(
            tok_hbm.at[idx_v.at[0]], buf.at[0], sems[0])
        for j in range(_NCHUNK):
            if j + 1 < _NCHUNK:
                copies[(j + 1) % 2] = pltpu.async_copy(
                    tok_hbm.at[idx_v.at[j + 1]], buf.at[(j + 1) % 2],
                    sems[(j + 1) % 2])
            copies[j % 2].wait()
            pltpu.sync_copy(buf.at[j % 2],
                            out_hbm.at[pl.ds((base + j) * _CHUNK, _CHUNK)])

    return k(tok_pad, idx2)


def _tc_body(x_ref, pos_ref, w_ref, b_ref, o_ref):
    x = x_ref[...].reshape(_RB, _T, _CP) + pos_ref[...][None, :, :]
    y = jnp.dot(x.reshape(_RB * _T, _CP), w_ref[...],
                preferred_element_type=jnp.float32) + b_ref[...]
    o_ref[...] = y


def kernel(idx, tok_table, pos_table, W, b):
    B, T = idx.shape
    tok_pad = jnp.pad(tok_table, ((0, 0), (0, _CP - _C)))
    pos_pad = jnp.pad(pos_table, ((0, 0), (0, _CP - _C)))
    W_pad = jnp.pad(W, ((0, _CP - _C), (0, 0)))
    idx2 = idx.reshape(_NW * _NCHUNK, _CHUNK)
    tok_emb = _sc_gather(tok_pad, idx2)

    out = pl.pallas_call(
        _tc_body,
        grid=(_ROWS // (_RB * _T),),
        in_specs=[
            pl.BlockSpec((_RB * _T, _CP), lambda i: (i, 0)),
            pl.BlockSpec((_T, _CP), lambda i: (0, 0)),
            pl.BlockSpec((_CP, _VOCAB), lambda i: (0, 0)),
            pl.BlockSpec((1, _VOCAB), lambda i: (0, 0)),
        ],
        out_specs=pl.BlockSpec((_RB * _T, _VOCAB), lambda i: (i, 0)),
        out_shape=jax.ShapeDtypeStruct((_ROWS, _VOCAB), jnp.float32),
    )(tok_emb, pos_pad, W_pad, b.reshape(1, _VOCAB))

    return out.reshape(B, T, _VOCAB)

# --- scband reference (transcript-rebuilt; emitter-appended) ---
"""Pipeline reference for scband-bigram-language-model-31568009625988 (READ-ONLY COPY).

The authoritative reference and input builder live on the scoring server;
editing this copy changes nothing except your own understanding.
"""

import jax, jax.numpy as jnp
import numpy as np

VOCAB = 1000
N_EMBED = 64
BLOCK_SIZE = 8
BATCH = 4096

def setup_inputs(seed: int = 0) -> dict:
    key = jax.random.key(seed)
    k_idx, k_tok, k_pos, k_w, k_b = jax.random.split(key, 5)
    idx = jax.random.randint(k_idx, (BATCH, BLOCK_SIZE), 0, VOCAB, dtype=jnp.int64 if jax.config.jax_enable_x64 else jnp.int32).astype(jnp.int32)
    tok_table = jax.random.normal(k_tok, (VOCAB, N_EMBED), dtype=jnp.float32)
    pos_table = jax.random.normal(k_pos, (BLOCK_SIZE, N_EMBED), dtype=jnp.float32)
    W = jax.random.normal(k_w, (N_EMBED, VOCAB), dtype=jnp.float32) * (1.0 / np.sqrt(N_EMBED))
    b = jnp.zeros((VOCAB,), dtype=jnp.float32)
    return {"idx": idx, "tok_table": tok_table, "pos_table": pos_table, "W": W, "b": b}

def reference(idx, tok_table, pos_table, W, b):
    B, T = idx.shape
    # token embedding lookup (gather)
    tok_emb = jnp.take(tok_table, idx, axis=0)            # [B, T, C]
    # position embedding lookup
    pos_emb = jnp.take(pos_table, jnp.arange(T), axis=0)  # [T, C]
    x = tok_emb + pos_emb[None, :, :]                      # [B, T, C]
    logits = jnp.einsum('btc,cv->btv', x, W) + b           # [B, T, V]
    # targets=None path of the original forward: loss is None, return logits
    return logits

if __name__ == "__main__":
    import jax
    _d = setup_inputs()
    print(jax.jit(kernel)(*tuple(_d.values())))

</pallas_src>

<mosaic_0001>
#map = affine_map<(d0, d1) -> (0, 0)>
module attributes {stable_mosaic.version = 14 : i64} {
  func.func @k(%arg0: i32, %arg1: i32, %arg2: memref<1000x128xf32, #tpu.memory_space<hbm>>, %arg3: memref<256x128xi32, #tpu.memory_space<hbm>>, %arg4: memref<32768x128xf32, #tpu.memory_space<hbm>>, %arg5: memref<8x128xi32, #tpu.memory_space<vmem>>, %arg6: memref<2x128x128xf32, #tpu.memory_space<vmem>>, %arg7: memref<!tpu.dma_semaphore, #tpu.memory_space<semaphore_mem>>, %arg8: memref<!tpu.dma_semaphore, #tpu.memory_space<semaphore_mem>>) attributes {dimension_semantics = [#tpu.dimension_semantics<core_parallel>, #tpu.dimension_semantics<subcore_parallel>], iteration_bounds = array<i64: 2, 16>, scalar_prefetch = 0 : i64, scratch_operands = 4 : i64, tpu.core_type = #tpu.core_type<sc_vector_subcore>, window_params = [{transform_indices = #map}, {transform_indices = #map}, {transform_indices = #map}]} {
    %mul3A = arith.constant 2 : i32
    %mul3A_0 = arith.muli %arg1, %mul3A : i32
    %add3A = arith.addi %mul3A_0, %arg0 : i32
    %mul3A_1 = arith.constant 8 : i32
    %mul3A_2 = arith.muli %add3A, %mul3A_1 : i32
    "tpu.region"() ({
      %run_scoped3A_232 = tpu.sem_alloc : memref<!tpu.dma_semaphore, #tpu.memory_space<semaphore_mem>>
      %dma_start3A_233 = arith.constant 0 : i32
      %dma_start3A_234 = tpu.memref_slice %arg3[%mul3A_2, %dma_start3A_233] : memref<256x128xi32, #tpu.memory_space<hbm>> -> memref<8x128xi32, #tpu.memory_space<hbm>>
      %dma_start3A_235 = arith.constant 0 : i32
      %dma_start3A_236 = tpu.memref_slice %arg3[%mul3A_2, %dma_start3A_235] : memref<256x128xi32, #tpu.memory_space<hbm>> -> memref<8x128xi32, #tpu.memory_space<hbm>>
      tpu.enqueue_dma source(%dma_start3A_236 : memref<8x128xi32, #tpu.memory_space<hbm>>) target(%arg5 : memref<8x128xi32, #tpu.memory_space<vmem>>) target_semaphore(%run_scoped3A_232 : memref<!tpu.dma_semaphore, #tpu.memory_space<semaphore_mem>>)
      %dma_wait3A_237 = arith.constant 0 : i32
      %dma_wait3A_238 = tpu.memref_slice %arg3[%mul3A_2, %dma_wait3A_237] : memref<256x128xi32, #tpu.memory_space<hbm>> -> memref<8x128xi32, #tpu.memory_space<hbm>>
      %dma_wait3A_239 = arith.constant 0 : i32
      %dma_wait3A_240 = tpu.memref_slice %arg3[%mul3A_2, %dma_wait3A_239] : memref<256x128xi32, #tpu.memory_space<hbm>> -> memref<8x128xi32, #tpu.memory_space<hbm>>
      tpu.wait_dma2 semaphore(%run_scoped3A_232 : memref<!tpu.dma_semaphore, #tpu.memory_space<semaphore_mem>>) src(%dma_wait3A_240 : memref<8x128xi32, #tpu.memory_space<hbm>>) dst(%arg5 : memref<8x128xi32, #tpu.memory_space<vmem>>)
      tpu.yield
    }) : () -> ()
    %dma_start3A = arith.constant 0 : i32
    %dma_start3A_3 = arith.constant 0 : i32
    %dma_start3A_4 = arith.constant 0 : i32
    %dma_start3A_5 = arith.constant 0 : i32
    %dma_start3A_6 = tpu.memref_slice %arg6[%dma_start3A_3, %dma_start3A_4, %dma_start3A_5] : memref<2x128x128xf32, #tpu.memory_space<vmem>> -> memref<1x128x128xf32, #tpu.memory_space<vmem>>
    %dma_start3A_7 = tpu.memref_squeeze %dma_start3A_6 : memref<1x128x128xf32, #tpu.memory_space<vmem>> -> memref<128x128xf32, #tpu.memory_space<vmem>>
    %dma_start3A_8 = arith.constant 0 : i32
    %dma_start3A_9 = tpu.memref_slice %arg5[%dma_start3A, %dma_start3A_8] : memref<8x128xi32, #tpu.memory_space<vmem>> -> memref<1x128xi32, #tpu.memory_space<vmem>>
    %dma_start3A_10 = tpu.memref_squeeze %dma_start3A_9 : memref<1x128xi32, #tpu.memory_space<vmem>> -> memref<128xi32, #tpu.memory_space<vmem>>
    %dma_start3A_11 = arith.constant 0 : i32
    %dma_start3A_12 = arith.constant 0 : i32
    %dma_start3A_13 = tpu.memref_slice %arg2[%dma_start3A_11, %dma_start3A_12] : memref<1000x128xf32, #tpu.memory_space<hbm>> -> memref<1000x128xf32, #tpu.memory_space<hbm>>
    tpu.enqueue_indirect_dma source(%dma_start3A_13 : memref<1000x128xf32, #tpu.memory_space<hbm>>) target(%dma_start3A_7 : memref<128x128xf32, #tpu.memory_space<vmem>>) offsets(%dma_start3A_10 : memref<128xi32, #tpu.memory_space<vmem>>) semaphore(%arg7 : memref<!tpu.dma_semaphore, #tpu.memory_space<semaphore_mem>>)
    %dma_start3A_14 = arith.constant 1 : i32
    %dma_start3A_15 = arith.constant 1 : i32
    %dma_start3A_16 = arith.constant 0 : i32
    %dma_start3A_17 = arith.constant 0 : i32
    %dma_start3A_18 = tpu.memref_slice %arg6[%dma_start3A_15, %dma_start3A_16, %dma_start3A_17] : memref<2x128x128xf32, #tpu.memory_space<vmem>> -> memref<1x128x128xf32, #tpu.memory_space<vmem>>
    %dma_start3A_19 = tpu.memref_squeeze %dma_start3A_18 : memref<1x128x128xf32, #tpu.memory_space<vmem>> -> memref<128x128xf32, #tpu.memory_space<vmem>>
    %dma_start3A_20 = arith.constant 0 : i32
    %dma_start3A_21 = tpu.memref_slice %arg5[%dma_start3A_14, %dma_start3A_20] : memref<8x128xi32, #tpu.memory_space<vmem>> -> memref<1x128xi32, #tpu.memory_space<vmem>>
    %dma_start3A_22 = tpu.memref_squeeze %dma_start3A_21 : memref<1x128xi32, #tpu.memory_space<vmem>> -> memref<128xi32, #tpu.memory_space<vmem>>
    %dma_start3A_23 = arith.constant 0 : i32
    %dma_start3A_24 = arith.constant 0 : i32
    %dma_start3A_25 = tpu.memref_slice %arg2[%dma_start3A_23, %dma_start3A_24] : memref<1000x128xf32, #tpu.memory_space<hbm>> -> memref<1000x128xf32, #tpu.memory_space<hbm>>
    tpu.enqueue_indirect_dma source(%dma_start3A_25 : memref<1000x128xf32, #tpu.memory_space<hbm>>) target(%dma_start3A_19 : memref<128x128xf32, #tpu.memory_space<vmem>>) offsets(%dma_start3A_22 : memref<128xi32, #tpu.memory_space<vmem>>) semaphore(%arg8 : memref<!tpu.dma_semaphore, #tpu.memory_space<semaphore_mem>>)
    %dma_wait3A = arith.constant 0 : i32
    %dma_wait3A_26 = arith.constant 0 : i32
    %dma_wait3A_27 = arith.constant 0 : i32
    %dma_wait3A_28 = arith.constant 0 : i32
    %dma_wait3A_29 = tpu.memref_slice %arg6[%dma_wait3A_26, %dma_wait3A_27, %dma_wait3A_28] : memref<2x128x128xf32, #tpu.memory_space<vmem>> -> memref<1x128x128xf32, #tpu.memory_space<vmem>>
    %dma_wait3A_30 = tpu.memref_squeeze %dma_wait3A_29 : memref<1x128x128xf32, #tpu.memory_space<vmem>> -> memref<128x128xf32, #tpu.memory_space<vmem>>
    %dma_wait3A_31 = arith.constant 0 : i32
    %dma_wait3A_32 = tpu.memref_slice %arg5[%dma_wait3A, %dma_wait3A_31] : memref<8x128xi32, #tpu.memory_space<vmem>> -> memref<1x128xi32, #tpu.memory_space<vmem>>
    %dma_wait3A_33 = tpu.memref_squeeze %dma_wait3A_32 : memref<1x128xi32, #tpu.memory_space<vmem>> -> memref<128xi32, #tpu.memory_space<vmem>>
    %dma_wait3A_34 = arith.constant 0 : i32
    %dma_wait3A_35 = arith.constant 0 : i32
    %dma_wait3A_36 = tpu.memref_slice %arg2[%dma_wait3A_34, %dma_wait3A_35] : memref<1000x128xf32, #tpu.memory_space<hbm>> -> memref<1000x128xf32, #tpu.memory_space<hbm>>
    tpu.wait_indirect_dma semaphore(%arg7 : memref<!tpu.dma_semaphore, #tpu.memory_space<semaphore_mem>>) src(%dma_wait3A_36 : memref<1000x128xf32, #tpu.memory_space<hbm>>) dst(%dma_wait3A_30 : memref<128x128xf32, #tpu.memory_space<vmem>>)
    %add3A_37 = arith.constant 0 : i32
    %add3A_38 = arith.addi %mul3A_2, %add3A_37 : i32
    %mul3A_39 = arith.constant 128 : i32
    %mul3A_40 = arith.muli %add3A_38, %mul3A_39 : i32
    %run_scoped3A = arith.constant 0 : i32
    "tpu.region"() ({
      %run_scoped3A_232 = tpu.sem_alloc : memref<!tpu.dma_semaphore, #tpu.memory_space<semaphore_mem>>
      %dma_start3A_233 = arith.constant 0 : i32
      %dma_start3A_234 = arith.constant 0 : i32
      %dma_start3A_235 = tpu.memref_slice %arg6[%run_scoped3A, %dma_start3A_233, %dma_start3A_234] : memref<2x128x128xf32, #tpu.memory_space<vmem>> -> memref<1x128x128xf32, #tpu.memory_space<vmem>>
      %dma_start3A_236 = tpu.memref_squeeze %dma_start3A_235 : memref<1x128x128xf32, #tpu.memory_space<vmem>> -> memref<128x128xf32, #tpu.memory_space<vmem>>
      %dma_start3A_237 = arith.constant 0 : i32
      %dma_start3A_238 = tpu.memref_slice %arg4[%mul3A_40, %dma_start3A_237] : memref<32768x128xf32, #tpu.memory_space<hbm>> -> memref<128x128xf32, #tpu.memory_space<hbm>>
      %dma_start3A_239 = arith.constant 0 : i32
      %dma_start3A_240 = tpu.memref_slice %arg4[%mul3A_40, %dma_start3A_239] : memref<32768x128xf32, #tpu.memory_space<hbm>> -> memref<128x128xf32, #tpu.memory_space<hbm>>
      %dma_start3A_241 = arith.constant 0 : i32
      %dma_start3A_242 = arith.constant 0 : i32
      %dma_start3A_243 = tpu.memref_slice %arg6[%run_scoped3A, %dma_start3A_241, %dma_start3A_242] : memref<2x128x128xf32, #tpu.memory_space<vmem>> -> memref<1x128x128xf32, #tpu.memory_space<vmem>>
      %dma_start3A_244 = tpu.memref_squeeze %dma_start3A_243 : memref<1x128x128xf32, #tpu.memory_space<vmem>> -> memref<128x128xf32, #tpu.memory_space<vmem>>
      tpu.enqueue_dma source(%dma_start3A_244 : memref<128x128xf32, #tpu.memory_space<vmem>>) target(%dma_start3A_240 : memref<128x128xf32, #tpu.memory_space<hbm>>) target_semaphore(%run_scoped3A_232 : memref<!tpu.dma_semaphore, #tpu.memory_space<semaphore_mem>>)
      %dma_wait3A_245 = arith.constant 0 : i32
      %dma_wait3A_246 = arith.constant 0 : i32
      %dma_wait3A_247 = tpu.memref_slice %arg6[%run_scoped3A, %dma_wait3A_245, %dma_wait3A_246] : memref<2x128x128xf32, #tpu.memory_space<vmem>> -> memref<1x128x128xf32, #tpu.memory_space<vmem>>
      %dma_wait3A_248 = tpu.memref_squeeze %dma_wait3A_247 : memref<1x128x128xf32, #tpu.memory_space<vmem>> -> memref<128x128xf32, #tpu.memory_space<vmem>>
      %dma_wait3A_249 = arith.constant 0 : i32
      %dma_wait3A_250 = tpu.memref_slice %arg4[%mul3A_40, %dma_wait3A_249] : memref<32768x128xf32, #tpu.memory_space<hbm>> -> memref<128x128xf32, #tpu.memory_space<hbm>>
      %dma_wait3A_251 = arith.constant 0 : i32
      %dma_wait3A_252 = tpu.memref_slice %arg4[%mul3A_40, %dma_wait3A_251] : memref<32768x128xf32, #tpu.memory_space<hbm>> -> memref<128x128xf32, #tpu.memory_space<hbm>>
      %dma_wait3A_253 = arith.constant 0 : i32
      %dma_wait3A_254 = arith.constant 0 : i32
      %dma_wait3A_255 = tpu.memref_slice %arg6[%run_scoped3A, %dma_wait3A_253, %dma_wait3A_254] : memref<2x128x128xf32, #tpu.memory_space<vmem>> -> memref<1x128x128xf32, #tpu.memory_space<vmem>>
      %dma_wait3A_256 = tpu.memref_squeeze %dma_wait3A_255 : memref<1x128x128xf32, #tpu.memory_space<vmem>> -> memref<128x128xf32, #tpu.memory_space<vmem>>
      tpu.wait_dma2 semaphore(%run_scoped3A_232 : memref<!tpu.dma_semaphore, #tpu.memory_space<semaphore_mem>>) src(%dma_wait3A_256 : memref<128x128xf32, #tpu.memory_space<vmem>>) dst(%dma_wait3A_252 : memref<128x128xf32, #tpu.memory_space<hbm>>)
      tpu.yield
    }) : () -> ()
    %dma_start3A_41 = arith.constant 2 : i32
    %dma_start3A_42 = arith.constant 0 : i32
    %dma_start3A_43 = arith.constant 0 : i32
    %dma_start3A_44 = arith.constant 0 : i32
    %dma_start3A_45 = tpu.memref_slice %arg6[%dma_start3A_42, %dma_start3A_43, %dma_start3A_44] : memref<2x128x128xf32, #tpu.memory_space<vmem>> -> memref<1x128x128xf32, #tpu.memory_space<vmem>>
    %dma_start3A_46 = tpu.memref_squeeze %dma_start3A_45 : memref<1x128x128xf32, #tpu.memory_space<vmem>> -> memref<128x128xf32, #tpu.memory_space<vmem>>
    %dma_start3A_47 = arith.constant 0 : i32
    %dma_start3A_48 = tpu.memref_slice %arg5[%dma_start3A_41, %dma_start3A_47] : memref<8x128xi32, #tpu.memory_space<vmem>> -> memref<1x128xi32, #tpu.memory_space<vmem>>
    %dma_start3A_49 = tpu.memref_squeeze %dma_start3A_48 : memref<1x128xi32, #tpu.memory_space<vmem>> -> memref<128xi32, #tpu.memory_space<vmem>>
    %dma_start3A_50 = arith.constant 0 : i32
    %dma_start3A_51 = arith.constant 0 : i32
    %dma_start3A_52 = tpu.memref_slice %arg2[%dma_start3A_50, %dma_start3A_51] : memref<1000x128xf32, #tpu.memory_space<hbm>> -> memref<1000x128xf32, #tpu.memory_space<hbm>>
    tpu.enqueue_indirect_dma source(%dma_start3A_52 : memref<1000x128xf32, #tpu.memory_space<hbm>>) target(%dma_start3A_46 : memref<128x128xf32, #tpu.memory_space<vmem>>) offsets(%dma_start3A_49 : memref<128xi32, #tpu.memory_space<vmem>>) semaphore(%arg7 : memref<!tpu.dma_semaphore, #tpu.memory_space<semaphore_mem>>)
    %dma_wait3A_53 = arith.constant 1 : i32
    %dma_wait3A_54 = arith.constant 1 : i32
    %dma_wait3A_55 = arith.constant 0 : i32
    %dma_wait3A_56 = arith.constant 0 : i32
    %dma_wait3A_57 = tpu.memref_slice %arg6[%dma_wait3A_54, %dma_wait3A_55, %dma_wait3A_56] : memref<2x128x128xf32, #tpu.memory_space<vmem>> -> memref<1x128x128xf32, #tpu.memory_space<vmem>>
    %dma_wait3A_58 = tpu.memref_squeeze %dma_wait3A_57 : memref<1x128x128xf32, #tpu.memory_space<vmem>> -> memref<128x128xf32, #tpu.memory_space<vmem>>
    %dma_wait3A_59 = arith.constant 0 : i32
    %dma_wait3A_60 = tpu.memref_slice %arg5[%dma_wait3A_53, %dma_wait3A_59] : memref<8x128xi32, #tpu.memory_space<vmem>> -> memref<1x128xi32, #tpu.memory_space<vmem>>
    %dma_wait3A_61 = tpu.memref_squeeze %dma_wait3A_60 : memref<1x128xi32, #tpu.memory_space<vmem>> -> memref<128xi32, #tpu.memory_space<vmem>>
    %dma_wait3A_62 = arith.constant 0 : i32
    %dma_wait3A_63 = arith.constant 0 : i32
    %dma_wait3A_64 = tpu.memref_slice %arg2[%dma_wait3A_62, %dma_wait3A_63] : memref<1000x128xf32, #tpu.memory_space<hbm>> -> memref<1000x128xf32, #tpu.memory_space<hbm>>
    tpu.wait_indirect_dma semaphore(%arg8 : memref<!tpu.dma_semaphore, #tpu.memory_space<semaphore_mem>>) src(%dma_wait3A_64 : memref<1000x128xf32, #tpu.memory_space<hbm>>) dst(%dma_wait3A_58 : memref<128x128xf32, #tpu.memory_space<vmem>>)
    %add3A_65 = arith.constant 1 : i32
    %add3A_66 = arith.addi %mul3A_2, %add3A_65 : i32
    %mul3A_67 = arith.constant 128 : i32
    %mul3A_68 = arith.muli %add3A_66, %mul3A_67 : i32
    %run_scoped3A_69 = arith.constant 1 : i32
    "tpu.region"() ({
      %run_scoped3A_232 = tpu.sem_alloc : memref<!tpu.dma_semaphore, #tpu.memory_space<semaphore_mem>>
      %dma_start3A_233 = arith.constant 0 : i32
      %dma_start3A_234 = arith.constant 0 : i32
      %dma_start3A_235 = tpu.memref_slice %arg6[%run_scoped3A_69, %dma_start3A_233, %dma_start3A_234] : memref<2x128x128xf32, #tpu.memory_space<vmem>> -> memref<1x128x128xf32, #tpu.memory_space<vmem>>
      %dma_start3A_236 = tpu.memref_squeeze %dma_start3A_235 : memref<1x128x128xf32, #tpu.memory_space<vmem>> -> memref<128x128xf32, #tpu.memory_space<vmem>>
      %dma_start3A_237 = arith.constant 0 : i32
      %dma_start3A_238 = tpu.memref_slice %arg4[%mul3A_68, %dma_start3A_237] : memref<32768x128xf32, #tpu.memory_space<hbm>> -> memref<128x128xf32, #tpu.memory_space<hbm>>
      %dma_start3A_239 = arith.constant 0 : i32
      %dma_start3A_240 = tpu.memref_slice %arg4[%mul3A_68, %dma_start3A_239] : memref<32768x128xf32, #tpu.memory_space<hbm>> -> memref<128x128xf32, #tpu.memory_space<hbm>>
      %dma_start3A_241 = arith.constant 0 : i32
      %dma_start3A_242 = arith.constant 0 : i32
      %dma_start3A_243 = tpu.memref_slice %arg6[%run_scoped3A_69, %dma_start3A_241, %dma_start3A_242] : memref<2x128x128xf32, #tpu.memory_space<vmem>> -> memref<1x128x128xf32, #tpu.memory_space<vmem>>
      %dma_start3A_244 = tpu.memref_squeeze %dma_start3A_243 : memref<1x128x128xf32, #tpu.memory_space<vmem>> -> memref<128x128xf32, #tpu.memory_space<vmem>>
      tpu.enqueue_dma source(%dma_start3A_244 : memref<128x128xf32, #tpu.memory_space<vmem>>) target(%dma_start3A_240 : memref<128x128xf32, #tpu.memory_space<hbm>>) target_semaphore(%run_scoped3A_232 : memref<!tpu.dma_semaphore, #tpu.memory_space<semaphore_mem>>)
      %dma_wait3A_245 = arith.constant 0 : i32
      %dma_wait3A_246 = arith.constant 0 : i32
      %dma_wait3A_247 = tpu.memref_slice %arg6[%run_scoped3A_69, %dma_wait3A_245, %dma_wait3A_246] : memref<2x128x128xf32, #tpu.memory_space<vmem>> -> memref<1x128x128xf32, #tpu.memory_space<vmem>>
      %dma_wait3A_248 = tpu.memref_squeeze %dma_wait3A_247 : memref<1x128x128xf32, #tpu.memory_space<vmem>> -> memref<128x128xf32, #tpu.memory_space<vmem>>
      %dma_wait3A_249 = arith.constant 0 : i32
      %dma_wait3A_250 = tpu.memref_slice %arg4[%mul3A_68, %dma_wait3A_249] : memref<32768x128xf32, #tpu.memory_space<hbm>> -> memref<128x128xf32, #tpu.memory_space<hbm>>
      %dma_wait3A_251 = arith.constant 0 : i32
      %dma_wait3A_252 = tpu.memref_slice %arg4[%mul3A_68, %dma_wait3A_251] : memref<32768x128xf32, #tpu.memory_space<hbm>> -> memref<128x128xf32, #tpu.memory_space<hbm>>
      %dma_wait3A_253 = arith.constant 0 : i32
      %dma_wait3A_254 = arith.constant 0 : i32
      %dma_wait3A_255 = tpu.memref_slice %arg6[%run_scoped3A_69, %dma_wait3A_253, %dma_wait3A_254] : memref<2x128x128xf32, #tpu.memory_space<vmem>> -> memref<1x128x128xf32, #tpu.memory_space<vmem>>
      %dma_wait3A_256 = tpu.memref_squeeze %dma_wait3A_255 : memref<1x128x128xf32, #tpu.memory_space<vmem>> -> memref<128x128xf32, #tpu.memory_space<vmem>>
      tpu.wait_dma2 semaphore(%run_scoped3A_232 : memref<!tpu.dma_semaphore, #tpu.memory_space<semaphore_mem>>) src(%dma_wait3A_256 : memref<128x128xf32, #tpu.memory_space<vmem>>) dst(%dma_wait3A_252 : memref<128x128xf32, #tpu.memory_space<hbm>>)
      tpu.yield
    }) : () -> ()
    %dma_start3A_70 = arith.constant 3 : i32
    %dma_start3A_71 = arith.constant 1 : i32
    %dma_start3A_72 = arith.constant 0 : i32
    %dma_start3A_73 = arith.constant 0 : i32
    %dma_start3A_74 = tpu.memref_slice %arg6[%dma_start3A_71, %dma_start3A_72, %dma_start3A_73] : memref<2x128x128xf32, #tpu.memory_space<vmem>> -> memref<1x128x128xf32, #tpu.memory_space<vmem>>
    %dma_start3A_75 = tpu.memref_squeeze %dma_start3A_74 : memref<1x128x128xf32, #tpu.memory_space<vmem>> -> memref<128x128xf32, #tpu.memory_space<vmem>>
    %dma_start3A_76 = arith.constant 0 : i32
    %dma_start3A_77 = tpu.memref_slice %arg5[%dma_start3A_70, %dma_start3A_76] : memref<8x128xi32, #tpu.memory_space<vmem>> -> memref<1x128xi32, #tpu.memory_space<vmem>>
    %dma_start3A_78 = tpu.memref_squeeze %dma_start3A_77 : memref<1x128xi32, #tpu.memory_space<vmem>> -> memref<128xi32, #tpu.memory_space<vmem>>
    %dma_start3A_79 = arith.constant 0 : i32
    %dma_start3A_80 = arith.constant 0 : i32
    %dma_start3A_81 = tpu.memref_slice %arg2[%dma_start3A_79, %dma_start3A_80] : memref<1000x128xf32, #tpu.memory_space<hbm>> -> memref<1000x128xf32, #tpu.memory_space<hbm>>
    tpu.enqueue_indirect_dma source(%dma_start3A_81 : memref<1000x128xf32, #tpu.memory_space<hbm>>) target(%dma_start3A_75 : memref<128x128xf32, #tpu.memory_space<vmem>>) offsets(%dma_start3A_78 : memref<128xi32, #tpu.memory_space<vmem>>) semaphore(%arg8 : memref<!tpu.dma_semaphore, #tpu.memory_space<semaphore_mem>>)
    %dma_wait3A_82 = arith.constant 2 : i32
    %dma_wait3A_83 = arith.constant 0 : i32
    %dma_wait3A_84 = arith.constant 0 : i32
    %dma_wait3A_85 = arith.constant 0 : i32
    %dma_wait3A_86 = tpu.memref_slice %arg6[%dma_wait3A_83, %dma_wait3A_84, %dma_wait3A_85] : memref<2x128x128xf32, #tpu.memory_space<vmem>> -> memref<1x128x128xf32, #tpu.memory_space<vmem>>
    %dma_wait3A_87 = tpu.memref_squeeze %dma_wait3A_86 : memref<1x128x128xf32, #tpu.memory_space<vmem>> -> memref<128x128xf32, #tpu.memory_space<vmem>>
    %dma_wait3A_88 = arith.constant 0 : i32
    %dma_wait3A_89 = tpu.memref_slice %arg5[%dma_wait3A_82, %dma_wait3A_88] : memref<8x128xi32, #tpu.memory_space<vmem>> -> memref<1x128xi32, #tpu.memory_space<vmem>>
    %dma_wait3A_90 = tpu.memref_squeeze %dma_wait3A_89 : memref<1x128xi32, #tpu.memory_space<vmem>> -> memref<128xi32, #tpu.memory_space<vmem>>
    %dma_wait3A_91 = arith.constant 0 : i32
    %dma_wait3A_92 = arith.constant 0 : i32
    %dma_wait3A_93 = tpu.memref_slice %arg2[%dma_wait3A_91, %dma_wait3A_92] : memref<1000x128xf32, #tpu.memory_space<hbm>> -> memref<1000x128xf32, #tpu.memory_space<hbm>>
    tpu.wait_indirect_dma semaphore(%arg7 : memref<!tpu.dma_semaphore, #tpu.memory_space<semaphore_mem>>) src(%dma_wait3A_93 : memref<1000x128xf32, #tpu.memory_space<hbm>>) dst(%dma_wait3A_87 : memref<128x128xf32, #tpu.memory_space<vmem>>)
    %add3A_94 = arith.constant 2 : i32
    %add3A_95 = arith.addi %mul3A_2, %add3A_94 : i32
    %mul3A_96 = arith.constant 128 : i32
    %mul3A_97 = arith.muli %add3A_95, %mul3A_96 : i32
    %run_scoped3A_98 = arith.constant 0 : i32
    "tpu.region"() ({
      %run_scoped3A_232 = tpu.sem_alloc : memref<!tpu.dma_semaphore, #tpu.memory_space<semaphore_mem>>
      %dma_start3A_233 = arith.constant 0 : i32
      %dma_start3A_234 = arith.constant 0 : i32
      %dma_start3A_235 = tpu.memref_slice %arg6[%run_scoped3A_98, %dma_start3A_233, %dma_start3A_234] : memref<2x128x128xf32, #tpu.memory_space<vmem>> -> memref<1x128x128xf32, #tpu.memory_space<vmem>>
      %dma_start3A_236 = tpu.memref_squeeze %dma_start3A_235 : memref<1x128x128xf32, #tpu.memory_space<vmem>> -> memref<128x128xf32, #tpu.memory_space<vmem>>
      %dma_start3A_237 = arith.constant 0 : i32
      %dma_start3A_238 = tpu.memref_slice %arg4[%mul3A_97, %dma_start3A_237] : memref<32768x128xf32, #tpu.memory_space<hbm>> -> memref<128x128xf32, #tpu.memory_space<hbm>>
      %dma_start3A_239 = arith.constant 0 : i32
      %dma_start3A_240 = tpu.memref_slice %arg4[%mul3A_97, %dma_start3A_239] : memref<32768x128xf32, #tpu.memory_space<hbm>> -> memref<128x128xf32, #tpu.memory_space<hbm>>
      %dma_start3A_241 = arith.constant 0 : i32
      %dma_start3A_242 = arith.constant 0 : i32
      %dma_start3A_243 = tpu.memref_slice %arg6[%run_scoped3A_98, %dma_start3A_241, %dma_start3A_242] : memref<2x128x128xf32, #tpu.memory_space<vmem>> -> memref<1x128x128xf32, #tpu.memory_space<vmem>>
      %dma_start3A_244 = tpu.memref_squeeze %dma_start3A_243 : memref<1x128x128xf32, #tpu.memory_space<vmem>> -> memref<128x128xf32, #tpu.memory_space<vmem>>
      tpu.enqueue_dma source(%dma_start3A_244 : memref<128x128xf32, #tpu.memory_space<vmem>>) target(%dma_start3A_240 : memref<128x128xf32, #tpu.memory_space<hbm>>) target_semaphore(%run_scoped3A_232 : memref<!tpu.dma_semaphore, #tpu.memory_space<semaphore_mem>>)
      %dma_wait3A_245 = arith.constant 0 : i32
      %dma_wait3A_246 = arith.constant 0 : i32
      %dma_wait3A_247 = tpu.memref_slice %arg6[%run_scoped3A_98, %dma_wait3A_245, %dma_wait3A_246] : memref<2x128x128xf32, #tpu.memory_space<vmem>> -> memref<1x128x128xf32, #tpu.memory_space<vmem>>
      %dma_wait3A_248 = tpu.memref_squeeze %dma_wait3A_247 : memref<1x128x128xf32, #tpu.memory_space<vmem>> -> memref<128x128xf32, #tpu.memory_space<vmem>>
      %dma_wait3A_249 = arith.constant 0 : i32
      %dma_wait3A_250 = tpu.memref_slice %arg4[%mul3A_97, %dma_wait3A_249] : memref<32768x128xf32, #tpu.memory_space<hbm>> -> memref<128x128xf32, #tpu.memory_space<hbm>>
      %dma_wait3A_251 = arith.constant 0 : i32
      %dma_wait3A_252 = tpu.memref_slice %arg4[%mul3A_97, %dma_wait3A_251] : memref<32768x128xf32, #tpu.memory_space<hbm>> -> memref<128x128xf32, #tpu.memory_space<hbm>>
      %dma_wait3A_253 = arith.constant 0 : i32
      %dma_wait3A_254 = arith.constant 0 : i32
      %dma_wait3A_255 = tpu.memref_slice %arg6[%run_scoped3A_98, %dma_wait3A_253, %dma_wait3A_254] : memref<2x128x128xf32, #tpu.memory_space<vmem>> -> memref<1x128x128xf32, #tpu.memory_space<vmem>>
      %dma_wait3A_256 = tpu.memref_squeeze %dma_wait3A_255 : memref<1x128x128xf32, #tpu.memory_space<vmem>> -> memref<128x128xf32, #tpu.memory_space<vmem>>
      tpu.wait_dma2 semaphore(%run_scoped3A_232 : memref<!tpu.dma_semaphore, #tpu.memory_space<semaphore_mem>>) src(%dma_wait3A_256 : memref<128x128xf32, #tpu.memory_space<vmem>>) dst(%dma_wait3A_252 : memref<128x128xf32, #tpu.memory_space<hbm>>)
      tpu.yield
    }) : () -> ()
    %dma_start3A_99 = arith.constant 4 : i32
    %dma_start3A_100 = arith.constant 0 : i32
    %dma_start3A_101 = arith.constant 0 : i32
    %dma_start3A_102 = arith.constant 0 : i32
    %dma_start3A_103 = tpu.memref_slice %arg6[%dma_start3A_100, %dma_start3A_101, %dma_start3A_102] : memref<2x128x128xf32, #tpu.memory_space<vmem>> -> memref<1x128x128xf32, #tpu.memory_space<vmem>>
    %dma_start3A_104 = tpu.memref_squeeze %dma_start3A_103 : memref<1x128x128xf32, #tpu.memory_space<vmem>> -> memref<128x128xf32, #tpu.memory_space<vmem>>
    %dma_start3A_105 = arith.constant 0 : i32
    %dma_start3A_106 = tpu.memref_slice %arg5[%dma_start3A_99, %dma_start3A_105] : memref<8x128xi32, #tpu.memory_space<vmem>> -> memref<1x128xi32, #tpu.memory_space<vmem>>
    %dma_start3A_107 = tpu.memref_squeeze %dma_start3A_106 : memref<1x128xi32, #tpu.memory_space<vmem>> -> memref<128xi32, #tpu.memory_space<vmem>>
    %dma_start3A_108 = arith.constant 0 : i32
    %dma_start3A_109 = arith.constant 0 : i32
    %dma_start3A_110 = tpu.memref_slice %arg2[%dma_start3A_108, %dma_start3A_109] : memref<1000x128xf32, #tpu.memory_space<hbm>> -> memref<1000x128xf32, #tpu.memory_space<hbm>>
    tpu.enqueue_indirect_dma source(%dma_start3A_110 : memref<1000x128xf32, #tpu.memory_space<hbm>>) target(%dma_start3A_104 : memref<128x128xf32, #tpu.memory_space<vmem>>) offsets(%dma_start3A_107 : memref<128xi32, #tpu.memory_space<vmem>>) semaphore(%arg7 : memref<!tpu.dma_semaphore, #tpu.memory_space<semaphore_mem>>)
    %dma_wait3A_111 = arith.constant 3 : i32
    %dma_wait3A_112 = arith.constant 1 : i32
    %dma_wait3A_113 = arith.constant 0 : i32
    %dma_wait3A_114 = arith.constant 0 : i32
    %dma_wait3A_115 = tpu.memref_slice %arg6[%dma_wait3A_112, %dma_wait3A_113, %dma_wait3A_114] : memref<2x128x128xf32, #tpu.memory_space<vmem>> -> memref<1x128x128xf32, #tpu.memory_space<vmem>>
    %dma_wait3A_116 = tpu.memref_squeeze %dma_wait3A_115 : memref<1x128x128xf32, #tpu.memory_space<vmem>> -> memref<128x128xf32, #tpu.memory_space<vmem>>
    %dma_wait3A_117 = arith.constant 0 : i32
    %dma_wait3A_118 = tpu.memref_slice %arg5[%dma_wait3A_111, %dma_wait3A_117] : memref<8x128xi32, #tpu.memory_space<vmem>> -> memref<1x128xi32, #tpu.memory_space<vmem>>
    %dma_wait3A_119 = tpu.memref_squeeze %dma_wait3A_118 : memref<1x128xi32, #tpu.memory_space<vmem>> -> memref<128xi32, #tpu.memory_space<vmem>>
    %dma_wait3A_120 = arith.constant 0 : i32
    %dma_wait3A_121 = arith.constant 0 : i32
    %dma_wait3A_122 = tpu.memref_slice %arg2[%dma_wait3A_120, %dma_wait3A_121] : memref<1000x128xf32, #tpu.memory_space<hbm>> -> memref<1000x128xf32, #tpu.memory_space<hbm>>
    tpu.wait_indirect_dma semaphore(%arg8 : memref<!tpu.dma_semaphore, #tpu.memory_space<semaphore_mem>>) src(%dma_wait3A_122 : memref<1000x128xf32, #tpu.memory_space<hbm>>) dst(%dma_wait3A_116 : memref<128x128xf32, #tpu.memory_space<vmem>>)
    %add3A_123 = arith.constant 3 : i32
    %add3A_124 = arith.addi %mul3A_2, %add3A_123 : i32
    %mul3A_125 = arith.constant 128 : i32
    %mul3A_126 = arith.muli %add3A_124, %mul3A_125 : i32
    %run_scoped3A_127 = arith.constant 1 : i32
    "tpu.region"() ({
      %run_scoped3A_232 = tpu.sem_alloc : memref<!tpu.dma_semaphore, #tpu.memory_space<semaphore_mem>>
      %dma_start3A_233 = arith.constant 0 : i32
      %dma_start3A_234 = arith.constant 0 : i32
      %dma_start3A_235 = tpu.memref_slice %arg6[%run_scoped3A_127, %dma_start3A_233, %dma_start3A_234] : memref<2x128x128xf32, #tpu.memory_space<vmem>> -> memref<1x128x128xf32, #tpu.memory_space<vmem>>
      %dma_start3A_236 = tpu.memref_squeeze %dma_start3A_235 : memref<1x128x128xf32, #tpu.memory_space<vmem>> -> memref<128x128xf32, #tpu.memory_space<vmem>>
      %dma_start3A_237 = arith.constant 0 : i32
      %dma_start3A_238 = tpu.memref_slice %arg4[%mul3A_126, %dma_start3A_237] : memref<32768x128xf32, #tpu.memory_space<hbm>> -> memref<128x128xf32, #tpu.memory_space<hbm>>
      %dma_start3A_239 = arith.constant 0 : i32
      %dma_start3A_240 = tpu.memref_slice %arg4[%mul3A_126, %dma_start3A_239] : memref<32768x128xf32, #tpu.memory_space<hbm>> -> memref<128x128xf32, #tpu.memory_space<hbm>>
      %dma_start3A_241 = arith.constant 0 : i32
      %dma_start3A_242 = arith.constant 0 : i32
      %dma_start3A_243 = tpu.memref_slice %arg6[%run_scoped3A_127, %dma_start3A_241, %dma_start3A_242] : memref<2x128x128xf32, #tpu.memory_space<vmem>> -> memref<1x128x128xf32, #tpu.memory_space<vmem>>
      %dma_start3A_244 = tpu.memref_squeeze %dma_start3A_243 : memref<1x128x128xf32, #tpu.memory_space<vmem>> -> memref<128x128xf32, #tpu.memory_space<vmem>>
      tpu.enqueue_dma source(%dma_start3A_244 : memref<128x128xf32, #tpu.memory_space<vmem>>) target(%dma_start3A_240 : memref<128x128xf32, #tpu.memory_space<hbm>>) target_semaphore(%run_scoped3A_232 : memref<!tpu.dma_semaphore, #tpu.memory_space<semaphore_mem>>)
      %dma_wait3A_245 = arith.constant 0 : i32
      %dma_wait3A_246 = arith.constant 0 : i32
      %dma_wait3A_247 = tpu.memref_slice %arg6[%run_scoped3A_127, %dma_wait3A_245, %dma_wait3A_246] : memref<2x128x128xf32, #tpu.memory_space<vmem>> -> memref<1x128x128xf32, #tpu.memory_space<vmem>>
      %dma_wait3A_248 = tpu.memref_squeeze %dma_wait3A_247 : memref<1x128x128xf32, #tpu.memory_space<vmem>> -> memref<128x128xf32, #tpu.memory_space<vmem>>
      %dma_wait3A_249 = arith.constant 0 : i32
      %dma_wait3A_250 = tpu.memref_slice %arg4[%mul3A_126, %dma_wait3A_249] : memref<32768x128xf32, #tpu.memory_space<hbm>> -> memref<128x128xf32, #tpu.memory_space<hbm>>
      %dma_wait3A_251 = arith.constant 0 : i32
      %dma_wait3A_252 = tpu.memref_slice %arg4[%mul3A_126, %dma_wait3A_251] : memref<32768x128xf32, #tpu.memory_space<hbm>> -> memref<128x128xf32, #tpu.memory_space<hbm>>
      %dma_wait3A_253 = arith.constant 0 : i32
      %dma_wait3A_254 = arith.constant 0 : i32
      %dma_wait3A_255 = tpu.memref_slice %arg6[%run_scoped3A_127, %dma_wait3A_253, %dma_wait3A_254] : memref<2x128x128xf32, #tpu.memory_space<vmem>> -> memref<1x128x128xf32, #tpu.memory_space<vmem>>
      %dma_wait3A_256 = tpu.memref_squeeze %dma_wait3A_255 : memref<1x128x128xf32, #tpu.memory_space<vmem>> -> memref<128x128xf32, #tpu.memory_space<vmem>>
      tpu.wait_dma2 semaphore(%run_scoped3A_232 : memref<!tpu.dma_semaphore, #tpu.memory_space<semaphore_mem>>) src(%dma_wait3A_256 : memref<128x128xf32, #tpu.memory_space<vmem>>) dst(%dma_wait3A_252 : memref<128x128xf32, #tpu.memory_space<hbm>>)
      tpu.yield
    }) : () -> ()
    %dma_start3A_128 = arith.constant 5 : i32
    %dma_start3A_129 = arith.constant 1 : i32
    %dma_start3A_130 = arith.constant 0 : i32
    %dma_start3A_131 = arith.constant 0 : i32
    %dma_start3A_132 = tpu.memref_slice %arg6[%dma_start3A_129, %dma_start3A_130, %dma_start3A_131] : memref<2x128x128xf32, #tpu.memory_space<vmem>> -> memref<1x128x128xf32, #tpu.memory_space<vmem>>
    %dma_start3A_133 = tpu.memref_squeeze %dma_start3A_132 : memref<1x128x128xf32, #tpu.memory_space<vmem>> -> memref<128x128xf32, #tpu.memory_space<vmem>>
    %dma_start3A_134 = arith.constant 0 : i32
    %dma_start3A_135 = tpu.memref_slice %arg5[%dma_start3A_128, %dma_start3A_134] : memref<8x128xi32, #tpu.memory_space<vmem>> -> memref<1x128xi32, #tpu.memory_space<vmem>>
    %dma_start3A_136 = tpu.memref_squeeze %dma_start3A_135 : memref<1x128xi32, #tpu.memory_space<vmem>> -> memref<128xi32, #tpu.memory_space<vmem>>
    %dma_start3A_137 = arith.constant 0 : i32
    %dma_start3A_138 = arith.constant 0 : i32
    %dma_start3A_139 = tpu.memref_slice %arg2[%dma_start3A_137, %dma_start3A_138] : memref<1000x128xf32, #tpu.memory_space<hbm>> -> memref<1000x128xf32, #tpu.memory_space<hbm>>
    tpu.enqueue_indirect_dma source(%dma_start3A_139 : memref<1000x128xf32, #tpu.memory_space<hbm>>) target(%dma_start3A_133 : memref<128x128xf32, #tpu.memory_space<vmem>>) offsets(%dma_start3A_136 : memref<128xi32, #tpu.memory_space<vmem>>) semaphore(%arg8 : memref<!tpu.dma_semaphore, #tpu.memory_space<semaphore_mem>>)
    %dma_wait3A_140 = arith.constant 4 : i32
    %dma_wait3A_141 = arith.constant 0 : i32
    %dma_wait3A_142 = arith.constant 0 : i32
    %dma_wait3A_143 = arith.constant 0 : i32
    %dma_wait3A_144 = tpu.memref_slice %arg6[%dma_wait3A_141, %dma_wait3A_142, %dma_wait3A_143] : memref<2x128x128xf32, #tpu.memory_space<vmem>> -> memref<1x128x128xf32, #tpu.memory_space<vmem>>
    %dma_wait3A_145 = tpu.memref_squeeze %dma_wait3A_144 : memref<1x128x128xf32, #tpu.memory_space<vmem>> -> memref<128x128xf32, #tpu.memory_space<vmem>>
    %dma_wait3A_146 = arith.constant 0 : i32
    %dma_wait3A_147 = tpu.memref_slice %arg5[%dma_wait3A_140, %dma_wait3A_146] : memref<8x128xi32, #tpu.memory_space<vmem>> -> memref<1x128xi32, #tpu.memory_space<vmem>>
    %dma_wait3A_148 = tpu.memref_squeeze %dma_wait3A_147 : memref<1x128xi32, #tpu.memory_space<vmem>> -> memref<128xi32, #tpu.memory_space<vmem>>
    %dma_wait3A_149 = arith.constant 0 : i32
    %dma_wait3A_150 = arith.constant 0 : i32
    %dma_wait3A_151 = tpu.memref_slice %arg2[%dma_wait3A_149, %dma_wait3A_150] : memref<1000x128xf32, #tpu.memory_space<hbm>> -> memref<1000x128xf32, #tpu.memory_space<hbm>>
    tpu.wait_indirect_dma semaphore(%arg7 : memref<!tpu.dma_semaphore, #tpu.memory_space<semaphore_mem>>) src(%dma_wait3A_151 : memref<1000x128xf32, #tpu.memory_space<hbm>>) dst(%dma_wait3A_145 : memref<128x128xf32, #tpu.memory_space<vmem>>)
    %add3A_152 = arith.constant 4 : i32
    %add3A_153 = arith.addi %mul3A_2, %add3A_152 : i32
    %mul3A_154 = arith.constant 128 : i32
    %mul3A_155 = arith.muli %add3A_153, %mul3A_154 : i32
    %run_scoped3A_156 = arith.constant 0 : i32
    "tpu.region"() ({
      %run_scoped3A_232 = tpu.sem_alloc : memref<!tpu.dma_semaphore, #tpu.memory_space<semaphore_mem>>
      %dma_start3A_233 = arith.constant 0 : i32
      %dma_start3A_234 = arith.constant 0 : i32
      %dma_start3A_235 = tpu.memref_slice %arg6[%run_scoped3A_156, %dma_start3A_233, %dma_start3A_234] : memref<2x128x128xf32, #tpu.memory_space<vmem>> -> memref<1x128x128xf32, #tpu.memory_space<vmem>>
      %dma_start3A_236 = tpu.memref_squeeze %dma_start3A_235 : memref<1x128x128xf32, #tpu.memory_space<vmem>> -> memref<128x128xf32, #tpu.memory_space<vmem>>
      %dma_start3A_237 = arith.constant 0 : i32
      %dma_start3A_238 = tpu.memref_slice %arg4[%mul3A_155, %dma_start3A_237] : memref<32768x128xf32, #tpu.memory_space<hbm>> -> memref<128x128xf32, #tpu.memory_space<hbm>>
      %dma_start3A_239 = arith.constant 0 : i32
      %dma_start3A_240 = tpu.memref_slice %arg4[%mul3A_155, %dma_start3A_239] : memref<32768x128xf32, #tpu.memory_space<hbm>> -> memref<128x128xf32, #tpu.memory_space<hbm>>
      %dma_start3A_241 = arith.constant 0 : i32
      %dma_start3A_242 = arith.constant 0 : i32
      %dma_start3A_243 = tpu.memref_slice %arg6[%run_scoped3A_156, %dma_start3A_241, %dma_start3A_242] : memref<2x128x128xf32, #tpu.memory_space<vmem>> -> memref<1x128x128xf32, #tpu.memory_space<vmem>>
      %dma_start3A_244 = tpu.memref_squeeze %dma_start3A_243 : memref<1x128x128xf32, #tpu.memory_space<vmem>> -> memref<128x128xf32, #tpu.memory_space<vmem>>
      tpu.enqueue_dma source(%dma_start3A_244 : memref<128x128xf32, #tpu.memory_space<vmem>>) target(%dma_start3A_240 : memref<128x128xf32, #tpu.memory_space<hbm>>) target_semaphore(%run_scoped3A_232 : memref<!tpu.dma_semaphore, #tpu.memory_space<semaphore_mem>>)
      %dma_wait3A_245 = arith.constant 0 : i32
      %dma_wait3A_246 = arith.constant 0 : i32
      %dma_wait3A_247 = tpu.memref_slice %arg6[%run_scoped3A_156, %dma_wait3A_245, %dma_wait3A_246] : memref<2x128x128xf32, #tpu.memory_space<vmem>> -> memref<1x128x128xf32, #tpu.memory_space<vmem>>
      %dma_wait3A_248 = tpu.memref_squeeze %dma_wait3A_247 : memref<1x128x128xf32, #tpu.memory_space<vmem>> -> memref<128x128xf32, #tpu.memory_space<vmem>>
      %dma_wait3A_249 = arith.constant 0 : i32
      %dma_wait3A_250 = tpu.memref_slice %arg4[%mul3A_155, %dma_wait3A_249] : memref<32768x128xf32, #tpu.memory_space<hbm>> -> memref<128x128xf32, #tpu.memory_space<hbm>>
      %dma_wait3A_251 = arith.constant 0 : i32
      %dma_wait3A_252 = tpu.memref_slice %arg4[%mul3A_155, %dma_wait3A_251] : memref<32768x128xf32, #tpu.memory_space<hbm>> -> memref<128x128xf32, #tpu.memory_space<hbm>>
      %dma_wait3A_253 = arith.constant 0 : i32
      %dma_wait3A_254 = arith.constant 0 : i32
      %dma_wait3A_255 = tpu.memref_slice %arg6[%run_scoped3A_156, %dma_wait3A_253, %dma_wait3A_254] : memref<2x128x128xf32, #tpu.memory_space<vmem>> -> memref<1x128x128xf32, #tpu.memory_space<vmem>>
      %dma_wait3A_256 = tpu.memref_squeeze %dma_wait3A_255 : memref<1x128x128xf32, #tpu.memory_space<vmem>> -> memref<128x128xf32, #tpu.memory_space<vmem>>
      tpu.wait_dma2 semaphore(%run_scoped3A_232 : memref<!tpu.dma_semaphore, #tpu.memory_space<semaphore_mem>>) src(%dma_wait3A_256 : memref<128x128xf32, #tpu.memory_space<vmem>>) dst(%dma_wait3A_252 : memref<128x128xf32, #tpu.memory_space<hbm>>)
      tpu.yield
    }) : () -> ()
    %dma_start3A_157 = arith.constant 6 : i32
    %dma_start3A_158 = arith.constant 0 : i32
    %dma_start3A_159 = arith.constant 0 : i32
    %dma_start3A_160 = arith.constant 0 : i32
    %dma_start3A_161 = tpu.memref_slice %arg6[%dma_start3A_158, %dma_start3A_159, %dma_start3A_160] : memref<2x128x128xf32, #tpu.memory_space<vmem>> -> memref<1x128x128xf32, #tpu.memory_space<vmem>>
    %dma_start3A_162 = tpu.memref_squeeze %dma_start3A_161 : memref<1x128x128xf32, #tpu.memory_space<vmem>> -> memref<128x128xf32, #tpu.memory_space<vmem>>
    %dma_start3A_163 = arith.constant 0 : i32
    %dma_start3A_164 = tpu.memref_slice %arg5[%dma_start3A_157, %dma_start3A_163] : memref<8x128xi32, #tpu.memory_space<vmem>> -> memref<1x128xi32, #tpu.memory_space<vmem>>
    %dma_start3A_165 = tpu.memref_squeeze %dma_start3A_164 : memref<1x128xi32, #tpu.memory_space<vmem>> -> memref<128xi32, #tpu.memory_space<vmem>>
    %dma_start3A_166 = arith.constant 0 : i32
    %dma_start3A_167 = arith.constant 0 : i32
    %dma_start3A_168 = tpu.memref_slice %arg2[%dma_start3A_166, %dma_start3A_167] : memref<1000x128xf32, #tpu.memory_space<hbm>> -> memref<1000x128xf32, #tpu.memory_space<hbm>>
    tpu.enqueue_indirect_dma source(%dma_start3A_168 : memref<1000x128xf32, #tpu.memory_space<hbm>>) target(%dma_start3A_162 : memref<128x128xf32, #tpu.memory_space<vmem>>) offsets(%dma_start3A_165 : memref<128xi32, #tpu.memory_space<vmem>>) semaphore(%arg7 : memref<!tpu.dma_semaphore, #tpu.memory_space<semaphore_mem>>)
    %dma_wait3A_169 = arith.constant 5 : i32
    %dma_wait3A_170 = arith.constant 1 : i32
    %dma_wait3A_171 = arith.constant 0 : i32
    %dma_wait3A_172 = arith.constant 0 : i32
    %dma_wait3A_173 = tpu.memref_slice %arg6[%dma_wait3A_170, %dma_wait3A_171, %dma_wait3A_172] : memref<2x128x128xf32, #tpu.memory_space<vmem>> -> memref<1x128x128xf32, #tpu.memory_space<vmem>>
    %dma_wait3A_174 = tpu.memref_squeeze %dma_wait3A_173 : memref<1x128x128xf32, #tpu.memory_space<vmem>> -> memref<128x128xf32, #tpu.memory_space<vmem>>
    %dma_wait3A_175 = arith.constant 0 : i32
    %dma_wait3A_176 = tpu.memref_slice %arg5[%dma_wait3A_169, %dma_wait3A_175] : memref<8x128xi32, #tpu.memory_space<vmem>> -> memref<1x128xi32, #tpu.memory_space<vmem>>
    %dma_wait3A_177 = tpu.memref_squeeze %dma_wait3A_176 : memref<1x128xi32, #tpu.memory_space<vmem>> -> memref<128xi32, #tpu.memory_space<vmem>>
    %dma_wait3A_178 = arith.constant 0 : i32
    %dma_wait3A_179 = arith.constant 0 : i32
    %dma_wait3A_180 = tpu.memref_slice %arg2[%dma_wait3A_178, %dma_wait3A_179] : memref<1000x128xf32, #tpu.memory_space<hbm>> -> memref<1000x128xf32, #tpu.memory_space<hbm>>
    tpu.wait_indirect_dma semaphore(%arg8 : memref<!tpu.dma_semaphore, #tpu.memory_space<semaphore_mem>>) src(%dma_wait3A_180 : memref<1000x128xf32, #tpu.memory_space<hbm>>) dst(%dma_wait3A_174 : memref<128x128xf32, #tpu.memory_space<vmem>>)
    %add3A_181 = arith.constant 5 : i32
    %add3A_182 = arith.addi %mul3A_2, %add3A_181 : i32
    %mul3A_183 = arith.constant 128 : i32
    %mul3A_184 = arith.muli %add3A_182, %mul3A_183 : i32
    %run_scoped3A_185 = arith.constant 1 : i32
    "tpu.region"() ({
      %run_scoped3A_232 = tpu.sem_alloc : memref<!tpu.dma_semaphore, #tpu.memory_space<semaphore_mem>>
      %dma_start3A_233 = arith.constant 0 : i32
      %dma_start3A_234 = arith.constant 0 : i32
      %dma_start3A_235 = tpu.memref_slice %arg6[%run_scoped3A_185, %dma_start3A_233, %dma_start3A_234] : memref<2x128x128xf32, #tpu.memory_space<vmem>> -> memref<1x128x128xf32, #tpu.memory_space<vmem>>
      %dma_start3A_236 = tpu.memref_squeeze %dma_start3A_235 : memref<1x128x128xf32, #tpu.memory_space<vmem>> -> memref<128x128xf32, #tpu.memory_space<vmem>>
      %dma_start3A_237 = arith.constant 0 : i32
      %dma_start3A_238 = tpu.memref_slice %arg4[%mul3A_184, %dma_start3A_237] : memref<32768x128xf32, #tpu.memory_space<hbm>> -> memref<128x128xf32, #tpu.memory_space<hbm>>
      %dma_start3A_239 = arith.constant 0 : i32
      %dma_start3A_240 = tpu.memref_slice %arg4[%mul3A_184, %dma_start3A_239] : memref<32768x128xf32, #tpu.memory_space<hbm>> -> memref<128x128xf32, #tpu.memory_space<hbm>>
      %dma_start3A_241 = arith.constant 0 : i32
      %dma_start3A_242 = arith.constant 0 : i32
      %dma_start3A_243 = tpu.memref_slice %arg6[%run_scoped3A_185, %dma_start3A_241, %dma_start3A_242] : memref<2x128x128xf32, #tpu.memory_space<vmem>> -> memref<1x128x128xf32, #tpu.memory_space<vmem>>
      %dma_start3A_244 = tpu.memref_squeeze %dma_start3A_243 : memref<1x128x128xf32, #tpu.memory_space<vmem>> -> memref<128x128xf32, #tpu.memory_space<vmem>>
      tpu.enqueue_dma source(%dma_start3A_244 : memref<128x128xf32, #tpu.memory_space<vmem>>) target(%dma_start3A_240 : memref<128x128xf32, #tpu.memory_space<hbm>>) target_semaphore(%run_scoped3A_232 : memref<!tpu.dma_semaphore, #tpu.memory_space<semaphore_mem>>)
      %dma_wait3A_245 = arith.constant 0 : i32
      %dma_wait3A_246 = arith.constant 0 : i32
      %dma_wait3A_247 = tpu.memref_slice %arg6[%run_scoped3A_185, %dma_wait3A_245, %dma_wait3A_246] : memref<2x128x128xf32, #tpu.memory_space<vmem>> -> memref<1x128x128xf32, #tpu.memory_space<vmem>>
      %dma_wait3A_248 = tpu.memref_squeeze %dma_wait3A_247 : memref<1x128x128xf32, #tpu.memory_space<vmem>> -> memref<128x128xf32, #tpu.memory_space<vmem>>
      %dma_wait3A_249 = arith.constant 0 : i32
      %dma_wait3A_250 = tpu.memref_slice %arg4[%mul3A_184, %dma_wait3A_249] : memref<32768x128xf32, #tpu.memory_space<hbm>> -> memref<128x128xf32, #tpu.memory_space<hbm>>
      %dma_wait3A_251 = arith.constant 0 : i32
      %dma_wait3A_252 = tpu.memref_slice %arg4[%mul3A_184, %dma_wait3A_251] : memref<32768x128xf32, #tpu.memory_space<hbm>> -> memref<128x128xf32, #tpu.memory_space<hbm>>
      %dma_wait3A_253 = arith.constant 0 : i32
      %dma_wait3A_254 = arith.constant 0 : i32
      %dma_wait3A_255 = tpu.memref_slice %arg6[%run_scoped3A_185, %dma_wait3A_253, %dma_wait3A_254] : memref<2x128x128xf32, #tpu.memory_space<vmem>> -> memref<1x128x128xf32, #tpu.memory_space<vmem>>
      %dma_wait3A_256 = tpu.memref_squeeze %dma_wait3A_255 : memref<1x128x128xf32, #tpu.memory_space<vmem>> -> memref<128x128xf32, #tpu.memory_space<vmem>>
      tpu.wait_dma2 semaphore(%run_scoped3A_232 : memref<!tpu.dma_semaphore, #tpu.memory_space<semaphore_mem>>) src(%dma_wait3A_256 : memref<128x128xf32, #tpu.memory_space<vmem>>) dst(%dma_wait3A_252 : memref<128x128xf32, #tpu.memory_space<hbm>>)
      tpu.yield
    }) : () -> ()
    %dma_start3A_186 = arith.constant 7 : i32
    %dma_start3A_187 = arith.constant 1 : i32
    %dma_start3A_188 = arith.constant 0 : i32
    %dma_start3A_189 = arith.constant 0 : i32
    %dma_start3A_190 = tpu.memref_slice %arg6[%dma_start3A_187, %dma_start3A_188, %dma_start3A_189] : memref<2x128x128xf32, #tpu.memory_space<vmem>> -> memref<1x128x128xf32, #tpu.memory_space<vmem>>
    %dma_start3A_191 = tpu.memref_squeeze %dma_start3A_190 : memref<1x128x128xf32, #tpu.memory_space<vmem>> -> memref<128x128xf32, #tpu.memory_space<vmem>>
    %dma_start3A_192 = arith.constant 0 : i32
    %dma_start3A_193 = tpu.memref_slice %arg5[%dma_start3A_186, %dma_start3A_192] : memref<8x128xi32, #tpu.memory_space<vmem>> -> memref<1x128xi32, #tpu.memory_space<vmem>>
    %dma_start3A_194 = tpu.memref_squeeze %dma_start3A_193 : memref<1x128xi32, #tpu.memory_space<vmem>> -> memref<128xi32, #tpu.memory_space<vmem>>
    %dma_start3A_195 = arith.constant 0 : i32
    %dma_start3A_196 = arith.constant 0 : i32
    %dma_start3A_197 = tpu.memref_slice %arg2[%dma_start3A_195, %dma_start3A_196] : memref<1000x128xf32, #tpu.memory_space<hbm>> -> memref<1000x128xf32, #tpu.memory_space<hbm>>
    tpu.enqueue_indirect_dma source(%dma_start3A_197 : memref<1000x128xf32, #tpu.memory_space<hbm>>) target(%dma_start3A_191 : memref<128x128xf32, #tpu.memory_space<vmem>>) offsets(%dma_start3A_194 : memref<128xi32, #tpu.memory_space<vmem>>) semaphore(%arg8 : memref<!tpu.dma_semaphore, #tpu.memory_space<semaphore_mem>>)
    %dma_wait3A_198 = arith.constant 6 : i32
    %dma_wait3A_199 = arith.constant 0 : i32
    %dma_wait3A_200 = arith.constant 0 : i32
    %dma_wait3A_201 = arith.constant 0 : i32
    %dma_wait3A_202 = tpu.memref_slice %arg6[%dma_wait3A_199, %dma_wait3A_200, %dma_wait3A_201] : memref<2x128x128xf32, #tpu.memory_space<vmem>> -> memref<1x128x128xf32, #tpu.memory_space<vmem>>
    %dma_wait3A_203 = tpu.memref_squeeze %dma_wait3A_202 : memref<1x128x128xf32, #tpu.memory_space<vmem>> -> memref<128x128xf32, #tpu.memory_space<vmem>>
    %dma_wait3A_204 = arith.constant 0 : i32
    %dma_wait3A_205 = tpu.memref_slice %arg5[%dma_wait3A_198, %dma_wait3A_204] : memref<8x128xi32, #tpu.memory_space<vmem>> -> memref<1x128xi32, #tpu.memory_space<vmem>>
    %dma_wait3A_206 = tpu.memref_squeeze %dma_wait3A_205 : memref<1x128xi32, #tpu.memory_space<vmem>> -> memref<128xi32, #tpu.memory_space<vmem>>
    %dma_wait3A_207 = arith.constant 0 : i32
    %dma_wait3A_208 = arith.constant 0 : i32
    %dma_wait3A_209 = tpu.memref_slice %arg2[%dma_wait3A_207, %dma_wait3A_208] : memref<1000x128xf32, #tpu.memory_space<hbm>> -> memref<1000x128xf32, #tpu.memory_space<hbm>>
    tpu.wait_indirect_dma semaphore(%arg7 : memref<!tpu.dma_semaphore, #tpu.memory_space<semaphore_mem>>) src(%dma_wait3A_209 : memref<1000x128xf32, #tpu.memory_space<hbm>>) dst(%dma_wait3A_203 : memref<128x128xf32, #tpu.memory_space<vmem>>)
    %add3A_210 = arith.constant 6 : i32
    %add3A_211 = arith.addi %mul3A_2, %add3A_210 : i32
    %mul3A_212 = arith.constant 128 : i32
    %mul3A_213 = arith.muli %add3A_211, %mul3A_212 : i32
    %run_scoped3A_214 = arith.constant 0 : i32
    "tpu.region"() ({
      %run_scoped3A_232 = tpu.sem_alloc : memref<!tpu.dma_semaphore, #tpu.memory_space<semaphore_mem>>
      %dma_start3A_233 = arith.constant 0 : i32
      %dma_start3A_234 = arith.constant 0 : i32
      %dma_start3A_235 = tpu.memref_slice %arg6[%run_scoped3A_214, %dma_start3A_233, %dma_start3A_234] : memref<2x128x128xf32, #tpu.memory_space<vmem>> -> memref<1x128x128xf32, #tpu.memory_space<vmem>>
      %dma_start3A_236 = tpu.memref_squeeze %dma_start3A_235 : memref<1x128x128xf32, #tpu.memory_space<vmem>> -> memref<128x128xf32, #tpu.memory_space<vmem>>
      %dma_start3A_237 = arith.constant 0 : i32
      %dma_start3A_238 = tpu.memref_slice %arg4[%mul3A_213, %dma_start3A_237] : memref<32768x128xf32, #tpu.memory_space<hbm>> -> memref<128x128xf32, #tpu.memory_space<hbm>>
      %dma_start3A_239 = arith.constant 0 : i32
      %dma_start3A_240 = tpu.memref_slice %arg4[%mul3A_213, %dma_start3A_239] : memref<32768x128xf32, #tpu.memory_space<hbm>> -> memref<128x128xf32, #tpu.memory_space<hbm>>
      %dma_start3A_241 = arith.constant 0 : i32
      %dma_start3A_242 = arith.constant 0 : i32
      %dma_start3A_243 = tpu.memref_slice %arg6[%run_scoped3A_214, %dma_start3A_241, %dma_start3A_242] : memref<2x128x128xf32, #tpu.memory_space<vmem>> -> memref<1x128x128xf32, #tpu.memory_space<vmem>>
      %dma_start3A_244 = tpu.memref_squeeze %dma_start3A_243 : memref<1x128x128xf32, #tpu.memory_space<vmem>> -> memref<128x128xf32, #tpu.memory_space<vmem>>
      tpu.enqueue_dma source(%dma_start3A_244 : memref<128x128xf32, #tpu.memory_space<vmem>>) target(%dma_start3A_240 : memref<128x128xf32, #tpu.memory_space<hbm>>) target_semaphore(%run_scoped3A_232 : memref<!tpu.dma_semaphore, #tpu.memory_space<semaphore_mem>>)
      %dma_wait3A_245 = arith.constant 0 : i32
      %dma_wait3A_246 = arith.constant 0 : i32
      %dma_wait3A_247 = tpu.memref_slice %arg6[%run_scoped3A_214, %dma_wait3A_245, %dma_wait3A_246] : memref<2x128x128xf32, #tpu.memory_space<vmem>> -> memref<1x128x128xf32, #tpu.memory_space<vmem>>
      %dma_wait3A_248 = tpu.memref_squeeze %dma_wait3A_247 : memref<1x128x128xf32, #tpu.memory_space<vmem>> -> memref<128x128xf32, #tpu.memory_space<vmem>>
      %dma_wait3A_249 = arith.constant 0 : i32
      %dma_wait3A_250 = tpu.memref_slice %arg4[%mul3A_213, %dma_wait3A_249] : memref<32768x128xf32, #tpu.memory_space<hbm>> -> memref<128x128xf32, #tpu.memory_space<hbm>>
      %dma_wait3A_251 = arith.constant 0 : i32
      %dma_wait3A_252 = tpu.memref_slice %arg4[%mul3A_213, %dma_wait3A_251] : memref<32768x128xf32, #tpu.memory_space<hbm>> -> memref<128x128xf32, #tpu.memory_space<hbm>>
      %dma_wait3A_253 = arith.constant 0 : i32
      %dma_wait3A_254 = arith.constant 0 : i32
      %dma_wait3A_255 = tpu.memref_slice %arg6[%run_scoped3A_214, %dma_wait3A_253, %dma_wait3A_254] : memref<2x128x128xf32, #tpu.memory_space<vmem>> -> memref<1x128x128xf32, #tpu.memory_space<vmem>>
      %dma_wait3A_256 = tpu.memref_squeeze %dma_wait3A_255 : memref<1x128x128xf32, #tpu.memory_space<vmem>> -> memref<128x128xf32, #tpu.memory_space<vmem>>
      tpu.wait_dma2 semaphore(%run_scoped3A_232 : memref<!tpu.dma_semaphore, #tpu.memory_space<semaphore_mem>>) src(%dma_wait3A_256 : memref<128x128xf32, #tpu.memory_space<vmem>>) dst(%dma_wait3A_252 : memref<128x128xf32, #tpu.memory_space<hbm>>)
      tpu.yield
    }) : () -> ()
    %dma_wait3A_215 = arith.constant 7 : i32
    %dma_wait3A_216 = arith.constant 1 : i32
    %dma_wait3A_217 = arith.constant 0 : i32
    %dma_wait3A_218 = arith.constant 0 : i32
    %dma_wait3A_219 = tpu.memref_slice %arg6[%dma_wait3A_216, %dma_wait3A_217, %dma_wait3A_218] : memref<2x128x128xf32, #tpu.memory_space<vmem>> -> memref<1x128x128xf32, #tpu.memory_space<vmem>>
    %dma_wait3A_220 = tpu.memref_squeeze %dma_wait3A_219 : memref<1x128x128xf32, #tpu.memory_space<vmem>> -> memref<128x128xf32, #tpu.memory_space<vmem>>
    %dma_wait3A_221 = arith.constant 0 : i32
    %dma_wait3A_222 = tpu.memref_slice %arg5[%dma_wait3A_215, %dma_wait3A_221] : memref<8x128xi32, #tpu.memory_space<vmem>> -> memref<1x128xi32, #tpu.memory_space<vmem>>
    %dma_wait3A_223 = tpu.memref_squeeze %dma_wait3A_222 : memref<1x128xi32, #tpu.memory_space<vmem>> -> memref<128xi32, #tpu.memory_space<vmem>>
    %dma_wait3A_224 = arith.constant 0 : i32
    %dma_wait3A_225 = arith.constant 0 : i32
    %dma_wait3A_226 = tpu.memref_slice %arg2[%dma_wait3A_224, %dma_wait3A_225] : memref<1000x128xf32, #tpu.memory_space<hbm>> -> memref<1000x128xf32, #tpu.memory_space<hbm>>
    tpu.wait_indirect_dma semaphore(%arg8 : memref<!tpu.dma_semaphore, #tpu.memory_space<semaphore_mem>>) src(%dma_wait3A_226 : memref<1000x128xf32, #tpu.memory_space<hbm>>) dst(%dma_wait3A_220 : memref<128x128xf32, #tpu.memory_space<vmem>>)
    %add3A_227 = arith.constant 7 : i32
    %add3A_228 = arith.addi %mul3A_2, %add3A_227 : i32
    %mul3A_229 = arith.constant 128 : i32
    %mul3A_230 = arith.muli %add3A_228, %mul3A_229 : i32
    %run_scoped3A_231 = arith.constant 1 : i32
    "tpu.region"() ({
      %run_scoped3A_232 = tpu.sem_alloc : memref<!tpu.dma_semaphore, #tpu.memory_space<semaphore_mem>>
      %dma_start3A_233 = arith.constant 0 : i32
      %dma_start3A_234 = arith.constant 0 : i32
      %dma_start3A_235 = tpu.memref_slice %arg6[%run_scoped3A_231, %dma_start3A_233, %dma_start3A_234] : memref<2x128x128xf32, #tpu.memory_space<vmem>> -> memref<1x128x128xf32, #tpu.memory_space<vmem>>
      %dma_start3A_236 = tpu.memref_squeeze %dma_start3A_235 : memref<1x128x128xf32, #tpu.memory_space<vmem>> -> memref<128x128xf32, #tpu.memory_space<vmem>>
      %dma_start3A_237 = arith.constant 0 : i32
      %dma_start3A_238 = tpu.memref_slice %arg4[%mul3A_230, %dma_start3A_237] : memref<32768x128xf32, #tpu.memory_space<hbm>> -> memref<128x128xf32, #tpu.memory_space<hbm>>
      %dma_start3A_239 = arith.constant 0 : i32
      %dma_start3A_240 = tpu.memref_slice %arg4[%mul3A_230, %dma_start3A_239] : memref<32768x128xf32, #tpu.memory_space<hbm>> -> memref<128x128xf32, #tpu.memory_space<hbm>>
      %dma_start3A_241 = arith.constant 0 : i32
      %dma_start3A_242 = arith.constant 0 : i32
      %dma_start3A_243 = tpu.memref_slice %arg6[%run_scoped3A_231, %dma_start3A_241, %dma_start3A_242] : memref<2x128x128xf32, #tpu.memory_space<vmem>> -> memref<1x128x128xf32, #tpu.memory_space<vmem>>
      %dma_start3A_244 = tpu.memref_squeeze %dma_start3A_243 : memref<1x128x128xf32, #tpu.memory_space<vmem>> -> memref<128x128xf32, #tpu.memory_space<vmem>>
      tpu.enqueue_dma source(%dma_start3A_244 : memref<128x128xf32, #tpu.memory_space<vmem>>) target(%dma_start3A_240 : memref<128x128xf32, #tpu.memory_space<hbm>>) target_semaphore(%run_scoped3A_232 : memref<!tpu.dma_semaphore, #tpu.memory_space<semaphore_mem>>)
      %dma_wait3A_245 = arith.constant 0 : i32
      %dma_wait3A_246 = arith.constant 0 : i32
      %dma_wait3A_247 = tpu.memref_slice %arg6[%run_scoped3A_231, %dma_wait3A_245, %dma_wait3A_246] : memref<2x128x128xf32, #tpu.memory_space<vmem>> -> memref<1x128x128xf32, #tpu.memory_space<vmem>>
      %dma_wait3A_248 = tpu.memref_squeeze %dma_wait3A_247 : memref<1x128x128xf32, #tpu.memory_space<vmem>> -> memref<128x128xf32, #tpu.memory_space<vmem>>
      %dma_wait3A_249 = arith.constant 0 : i32
      %dma_wait3A_250 = tpu.memref_slice %arg4[%mul3A_230, %dma_wait3A_249] : memref<32768x128xf32, #tpu.memory_space<hbm>> -> memref<128x128xf32, #tpu.memory_space<hbm>>
      %dma_wait3A_251 = arith.constant 0 : i32
      %dma_wait3A_252 = tpu.memref_slice %arg4[%mul3A_230, %dma_wait3A_251] : memref<32768x128xf32, #tpu.memory_space<hbm>> -> memref<128x128xf32, #tpu.memory_space<hbm>>
      %dma_wait3A_253 = arith.constant 0 : i32
      %dma_wait3A_254 = arith.constant 0 : i32
      %dma_wait3A_255 = tpu.memref_slice %arg6[%run_scoped3A_231, %dma_wait3A_253, %dma_wait3A_254] : memref<2x128x128xf32, #tpu.memory_space<vmem>> -> memref<1x128x128xf32, #tpu.memory_space<vmem>>
      %dma_wait3A_256 = tpu.memref_squeeze %dma_wait3A_255 : memref<1x128x128xf32, #tpu.memory_space<vmem>> -> memref<128x128xf32, #tpu.memory_space<vmem>>
      tpu.wait_dma2 semaphore(%run_scoped3A_232 : memref<!tpu.dma_semaphore, #tpu.memory_space<semaphore_mem>>) src(%dma_wait3A_256 : memref<128x128xf32, #tpu.memory_space<vmem>>) dst(%dma_wait3A_252 : memref<128x128xf32, #tpu.memory_space<hbm>>)
      tpu.yield
    }) : () -> ()
    return
  }
}

module attributes {stable_mosaic.version = 14 : i64} {
  func.func @_tc_body(%arg0: i32, %arg1: memref<1024x128xf32, #tpu.memory_space<vmem>>, %arg2: memref<8x128xf32, #tpu.memory_space<vmem>>, %arg3: memref<128x1000xf32, #tpu.memory_space<vmem>>, %arg4: memref<1x1000xf32, #tpu.memory_space<vmem>>, %arg5: memref<1024x1000xf32, #tpu.memory_space<vmem>>) attributes {dimension_semantics = [#tpu.dimension_semantics<arbitrary>], iteration_bounds = array<i64: 32>, scalar_prefetch = 0 : i64, scratch_operands = 0 : i64, tpu.core_type = #tpu.core_type<tc>, window_params = [{transform_indices = @transform_0, window_bounds = array<i64: 1024, 128>}, {pipeline_mode = #tpu.pipeline_mode<synchronous>, transform_indices = @transform_1, window_bounds = array<i64: 8, 128>}, {pipeline_mode = #tpu.pipeline_mode<synchronous>, transform_indices = @transform_2, window_bounds = array<i64: 128, 1000>}, {pipeline_mode = #tpu.pipeline_mode<synchronous>, transform_indices = @transform_3, window_bounds = array<i64: 1, 1000>}, {transform_indices = @transform_4, window_bounds = array<i64: 1024, 1000>}]} {
    %get3A = arith.constant 0 : index
    %get3A_0 = arith.constant 0 : index
    %get3A_1 = vector.load %arg1[%get3A, %get3A_0] : memref<1024x128xf32, #tpu.memory_space<vmem>>, vector<1024x128xf32>
    %reshape3A = vector.shape_cast %get3A_1 : vector<1024x128xf32> to vector<128x8x128xf32>
    %get3A_2 = arith.constant 0 : index
    %get3A_3 = arith.constant 0 : index
    %get3A_4 = vector.load %arg2[%get3A_2, %get3A_3] : memref<8x128xf32, #tpu.memory_space<vmem>>, vector<8x128xf32>
    %broadcast_in_dim3A = vector.shape_cast %get3A_4 : vector<8x128xf32> to vector<1x8x128xf32>
    %add3A = vector.broadcast %broadcast_in_dim3A : vector<1x8x128xf32> to vector<128x8x128xf32>
    %add3A_5 = arith.addf %reshape3A, %add3A : vector<128x8x128xf32>
    %reshape3A_6 = vector.shape_cast %add3A_5 : vector<128x8x128xf32> to vector<1024x128xf32>
    %get3A_7 = arith.constant 0 : index
    %get3A_8 = arith.constant 0 : index
    %get3A_9 = vector.load %arg3[%get3A_7, %get3A_8] : memref<128x1000xf32, #tpu.memory_space<vmem>>, vector<128x1000xf32>
    %dot_general3A = arith.constant dense<0.000000e+00> : vector<1024x1000xf32>
    %dot_general3A_10 = tpu.matmul %reshape3A_6, %get3A_9, %dot_general3A {dimension_numbers = #tpu.dot_dimension_numbers<[1], [0], [0], [1], [0, 0, 1, 1], [], []>, transpose_lhs_hint = false} : vector<1024x128xf32>, vector<128x1000xf32>, vector<1024x1000xf32> -> vector<1024x1000xf32>
    %get3A_11 = arith.constant 0 : index
    %get3A_12 = arith.constant 0 : index
    %get3A_13 = vector.load %arg4[%get3A_11, %get3A_12] : memref<1x1000xf32, #tpu.memory_space<vmem>>, vector<1x1000xf32>
    %add3A_14 = vector.broadcast %get3A_13 : vector<1x1000xf32> to vector<1024x1000xf32>
    %add3A_15 = arith.addf %dot_general3A_10, %add3A_14 : vector<1024x1000xf32>
    %swap3A = arith.constant 0 : index
    %swap3A_16 = arith.constant 0 : index
    %swap3A_17 = vector.load %arg5[%swap3A, %swap3A_16] : memref<1024x1000xf32, #tpu.memory_space<vmem>>, vector<1024x1000xf32>
    tpu.vector_store %arg5[%swap3A, %swap3A_16], %add3A_15 {strides = array<i32>} : memref<1024x1000xf32, #tpu.memory_space<vmem>>, vector<1024x1000xf32>,
    return
  }
  func.func @transform_0(%arg0: i32) -> (i32, i32) {
    %c0_i32 = arith.constant 0 : i32
    %c0_i32_0 = arith.constant 0 : i32
    return %arg0, %c0_i32 : i32, i32
  }
  func.func @transform_1(%arg0: i32) -> (i32, i32) {
    %c0_i32 = arith.constant 0 : i32
    %c0_i32_0 = arith.constant 0 : i32
    %c0_i32_1 = arith.constant 0 : i32
    return %c0_i32, %c0_i32_0 : i32, i32
  }
  func.func @transform_2(%arg0: i32) -> (i32, i32) {
    %c0_i32 = arith.constant 0 : i32
    %c0_i32_0 = arith.constant 0 : i32
    %c0_i32_1 = arith.constant 0 : i32
    return %c0_i32, %c0_i32_0 : i32, i32
  }
  func.func @transform_3(%arg0: i32) -> (i32, i32) {
    %c0_i32 = arith.constant 0 : i32
    %c0_i32_0 = arith.constant 0 : i32
    %c0_i32_1 = arith.constant 0 : i32
    return %c0_i32, %c0_i32_0 : i32, i32
  }
  func.func @transform_4(%arg0: i32) -> (i32, i32) {
    %c0_i32 = arith.constant 0 : i32
    %c0_i32_0 = arith.constant 0 : i32
    return %arg0, %c0_i32 : i32, i32
  }
}

</mosaic_0001>

<sc_bundles>
// kernel: kernel.4.cloned.1.call-start
scs
__scs_entry_jumppad:
0x0: {  	(pc) =	sbr.rel $0x88, $3  }
0x1: {  	(tag) =	ssettag $0x0;
	lr =	simm.s32 $0x1  }
0x2: {  	[smem:$0x3F9C] =	sst lr;
	_ =	strace $0xD0000000  }
0x3: {  	_ = 	snop  }
0x4: {  	_ = 	snop  }
0x5: {  	_ = 	snop  }
0x6: {  	_ = 	snop  }
0x7: {  	_ = 	snop  }
__scs_overlays_trampoline_lowered:
0x8: {  	[smem:$0x3FAB] =	sst s0  }
0x9: {  	[smem:$0x3FAC] =	sst s1  }
0xa: {  	[smem:$0x3FAD] =	sst s2  }
0xb: {  	[smem:$0x3FAE] =	sst s3  }
0xc: {  	[smem:$0x3FAF] =	sst s4  }
0xd: {  	[smem:$0x3FB0] =	sst s5  }
0xe: {  	[smem:$0x3FB1] =	sst s6  }
0xf: {  	[smem:$0x3FB2] =	sst s7  }
0x10: {  	[smem:$0x3FB3] =	sst s8  }
0x11: {  	[smem:$0x3FB4] =	sst s9;
	s0 =	simm.s32 @!p0 $0x0  }
0x12: {  	s1 =	sld [smem:$0x3F9A];
	s0 =	simm.s32 @p0 $0x1  }
0x13: {  	[smem:$0x3FB5] =	sst s0;
	s0 =	simm.s32 @!p1 $0x0  }
0x14: {  	s2 =	sld [smem:$0x3F99];
	s0 =	simm.s32 @p1 $0x1  }
0x15: {  	[smem:$0x3FB6] =	sst s0;
	s0 =	simm.s32 @!p2 $0x0  }
0x16: {  	s3 =	sld [smem:$0x3FDB];
	s0 =	simm.s32 @p2 $0x1  }
0x17: {  	s4 =	simm.s32 $0x1BF5;
	[smem:$0x3FB8] =	sst s0  }
0x18: {  	s0 =	sld [smem:$0x3F9B];
	_ =	swait.ge [sflag:s4], $0x0  }
0x19: {  	s7 =	sld [smem:$0x3F9C]  }
0x1a: {  	s8 =	sadd.s32 $0xFFFFE003, lr  }
0x1b: {  	s9 =	sadd.s32 $0xFFFFFEF7, lr;
	s5 =	simm.s32 $0xFFFFFFFF;
	p2 =	slt.u32 s8, $0xFFFFF086  }
0x1c: {  	p1 =	slt.u32 s9, $0xF7A;
	s5 =	simm.s32 @!p2 $0x0  }
0x1d: {  	s5 =	simm.s32 @p1 $0x1;
	p0 =	seq.s32 s7, s2  }
0x1e: {  	s7 =	smul.u32 @!p0 $0xF7A, s2;
	p2 =	seq.s32 @!p0 s5, $0x0  }
0x1f: {  	s9 =	smul.u32 $0xF7A, s1;
	s8 =	simm.s32 @!p0 $0x1BF5;
	p2 =	por !p2, p0  }
0x20: {  	[sflag:s8] =	ssyncset.s32 @!p0 $0xFFFFF086;
	s6 =	sadd.s32 @!p0 s3, s7;
	s7 =	simm.s32 @!p0 $0x108  }
0x21: {  	s3 =	sadd.s32 s3, s9;
	s6 =	sadd.s32 @!p0 $0x88, s6;
	s7 =	simm.s32 @p2 $0x1082  }
0x22: {  	[simem:s7], [sflag:s8] =	dma.local @!p0 [hbm:s6], $0xF7A  }
0x23: {  	s9 =	sor.u32 $0xD0000000, s2;
	s6 =	simm.s32 $0x108;
	_ =	swait.ge @!p0 [sflag:s8], $0x0  }
0x24: {  	s3 =	sadd.s32 $0x88, s3;
	s6 =	simm.s32 @!p1 $0x1082;
	[sflag:s4] =	ssyncset.s32 $0xFFFFF086  }
0x25: {  	[simem:s6], [sflag:s4] =	dma.local [hbm:s3], $0xF7A  }
0x26: {  	[smem:$0x3F9C] =	sst s1;
	(tag) =	ssettag s2;
	_ =	strace s9  }
0x27: {  	s1 =	sld [smem:$0x3FAC]  }
0x28: {  	s2 =	sld [smem:$0x3FAD]  }
0x29: {  	s4 =	sld [smem:$0x3FAF]  }
0x2a: {  	p0 =	seq.s32 s5, $0x0;
	s5 =	sld [smem:$0x3FB0]  }
0x2b: {  	s6 =	sld [smem:$0x3FB1]  }
0x2c: {  	s7 =	sld [smem:$0x3FB2]  }
0x2d: {  	s3 =	simm.s32 $0x108;
	s8 =	sld [smem:$0x3FB3]  }
0x2e: {  	s3 =	simm.s32 @!p0 $0x1082;
	s9 =	sld [smem:$0x3FB4]  }
0x2f: {  	lr =	sadd.s32 s0, s3;
	s0 =	sld [smem:$0x3FAB]  }
0x30: {  	s3 =	sld [smem:$0x3FAE]  }
0x31: {  	[smem:$0x3FB7] =	sst s10  }
0x32: {  	s10 =	sld [smem:$0x3FB5];
	_ =	sdelay $0x3  }
0x33: {  	p0 =	seq.s32 s10, $0x1;
	s10 =	sld [smem:$0x3FB7];
	_ =	sdelay $0x3  }
0x34: {  	[smem:$0x3FB7] =	sst s10  }
0x35: {  	s10 =	sld [smem:$0x3FB6];
	_ =	sdelay $0x3  }
0x36: {  	p1 =	seq.s32 s10, $0x1;
	s10 =	sld [smem:$0x3FB7];
	_ =	sdelay $0x3  }
0x37: {  	[smem:$0x3FB7] =	sst s10  }
0x38: {  	s10 =	sld [smem:$0x3FB8]  }
0x39: {  	_ = 	snop;
	(pc) =	sbr.ind lr, $3  }
0x3a: {  	_ = 	snop  }
0x3b: {  	_ = 	snop  }
0x3c: {  	p2 =	seq.s32 s10, $0x1;
	s10 =	sld [smem:$0x3FB7]  }
0x3d: {  	_ =	shalt  }
0x3e: {  	_ =	shalt  }
0x3f: {  	_ =	shalt  }
0x40: {  	_ =	shalt  }
0x41: {  	_ =	shalt  }
0x42: {  	_ =	shalt  }
0x43: {  	_ =	shalt  }
0x44: {  	_ =	shalt  }
0x45: {  	_ =	shalt  }
0x46: {  	_ =	shalt  }
0x47: {  	_ =	shalt  }
0x48: {  	_ =	shalt  }
0x49: {  	_ =	shalt  }
0x4a: {  	_ =	shalt  }
0x4b: {  	_ =	shalt  }
0x4c: {  	_ =	shalt  }
0x4d: {  	_ =	shalt  }
0x4e: {  	_ =	shalt  }
0x4f: {  	_ =	shalt  }
0x50: {  	_ =	shalt  }
0x51: {  	_ =	shalt  }
0x52: {  	_ =	shalt  }
0x53: {  	_ =	shalt  }
0x54: {  	_ =	shalt  }
0x55: {  	_ =	shalt  }
0x56: {  	_ =	shalt  }
0x57: {  	_ =	shalt  }
0x58: {  	_ =	shalt  }
0x59: {  	_ =	shalt  }
0x5a: {  	_ =	shalt  }
0x5b: {  	_ =	shalt  }
0x5c: {  	_ =	shalt  }
0x5d: {  	_ =	shalt  }
0x5e: {  	_ =	shalt  }
0x5f: {  	_ =	shalt  }
0x60: {  	_ =	shalt  }
0x61: {  	_ =	shalt  }
0x62: {  	_ =	shalt  }
0x63: {  	_ =	shalt  }
0x64: {  	_ =	shalt  }
0x65: {  	_ =	shalt  }
0x66: {  	_ =	shalt  }
0x67: {  	_ =	shalt  }
0x68: {  	_ =	shalt  }
0x69: {  	_ =	shalt  }
0x6a: {  	_ =	shalt  }
0x6b: {  	_ =	shalt  }
0x6c: {  	_ =	shalt  }
0x6d: {  	_ =	shalt  }
0x6e: {  	_ =	shalt  }
0x6f: {  	_ =	shalt  }
0x70: {  	_ =	shalt  }
0x71: {  	_ =	shalt  }
0x72: {  	_ =	shalt  }
0x73: {  	_ =	shalt  }
0x74: {  	_ =	shalt  }
0x75: {  	_ =	shalt  }
0x76: {  	_ =	shalt  }
0x77: {  	_ =	shalt  }
0x78: {  	_ =	shalt  }
0x79: {  	_ =	shalt  }
0x7a: {  	_ =	shalt  }
0x7b: {  	_ =	shalt  }
0x7c: {  	_ =	shalt  }
0x7d: {  	_ =	shalt  }
0x7e: {  	_ =	shalt  }
0x7f: {  	_ =	shalt  }
0x80: {  	_ =	shalt  }
0x81: {  	_ =	shalt  }
0x82: {  	_ =	shalt  }
0x83: {  	_ =	shalt  }
0x84: {  	_ =	shalt  }
0x85: {  	_ =	shalt  }
0x86: {  	_ =	shalt  }
0x87: {  	_ =	shalt  }
.Lfunc_end0:
.L_simem_size_0:
called_computation.1_lowered:
.L_overlay_start_0:
0x88: {  	s2 =	sld [smem:$0x3FD9]  }
0x89: {  	s3 =	sld [smem:$0x3FFE];
	_ =	sdelay $0x1  }
0x8a: {  	s1 =	srdreg.scid  }
0x8b: {  	s0 =	sand.u32 $0x1, s1  }
0x8c: {  	s17 =	sshll.u32 s0, $0xA;
	s2 =	sadd.s32 s3, s2  }
0x8d: {  	s2 =	sadd.s32 s2, s17  }
0x8e: {  	[smem:$0x3FC3] =	sst s2  }
0x8f: {  	_ = 	snop  }
0x90: {  	s2 =	sld [smem:$0x3FD0];
	(tm) =	ssettm $0x1  }
0x91: {  	s18 =	sld [smem:$0x3FFB];
	_ =	sdelay $0x3  }
0x92: {  	_ =	strace s18  }
0x93: {  	s3 =	sld [smem:$0x3FFC];
	_ =	sdelay $0x3  }
0x94: {  	_ =	strace s3  }
0x95: {  	s3 =	sld [smem:$0x3FFD];
	_ =	sdelay $0x3  }
0x96: {  	_ =	strace s3  }
0x97: {  	_ =	strace $0x8FFFFFFF  }
0x98: {  	s19 =	sld [smem:$0x3FDB];
	_ =	sdelay $0x1  }
0x99: {  	s4 =	simm.s32 $_scs_section_size  }
0x9a: {  	s5 =	simm.s32 $_size__tile_overlayer_lowered;
	s6 =	simm.s32 $_tile_overlayer_lowered  }
0x9b: {  	s22 =	simm.s32 $0x1BFF;
	s21 =	sshll.u32 s6, $0x1;
	s3 =	sadd.s32 s4, s19  }
0x9c: {  	s7 =	simm.s32 $0x0;
	s20 =	sshll.u32 s5, $0x1;
	s5 =	sadd.s32 s21, s3  }
0x9d: {  	[timem:s7], [sflag:s22] =	dma.local [hbm:s5], s20  }
0x9e: {  	_ =	swait.ge [sflag:s22], s20  }
0x9f: {  	s4 =	ssub.s32 $0x0, s20;
	[sflag:s22] =	ssyncset.done $0x0  }
0xa0: {  	[sflag:s22] =	ssyncadd.s32 s4;
	_ =	sdelay $0x1  }
0xa1: {  	s23 =	simm.s32 $0x1B8B  }
0xa2: {  	_ =	swait.ge [sflag:s23], $0x1  }
0xa3: {  	[sflag:s23] =	ssyncset.done $0x0  }
0xa4: {  	s25 =	simm.s32 $0x1B8E;
	s24 =	sld [smem:$0x3FFE];
	[sflag:s23] =	ssyncadd.s32 $0xFFFFFFFF  }
0xa5: {  	s26 =	simm.s32 $execute0_lowered;
	[smem:$0x3FD2] =	sst s25  }
0xa6: {  	s5 =	sshll.u32 s26, $0x1;
	_ =	strace $0x80000046;
	[dreg:$0x1] =	wrdreg $0xFFFFFFFF  }
0xa7: {  	s28 =	simm.s32 $_size_execute0_lowered;
	s3 =	sadd.s32 s3, s5;
	[dreg:$0x0] =	wrdreg $0x0  }
0xa8: {  	s5 =	sshll.u32 s28, $0x1;
	[dreg:$0x2] =	wrdreg s3  }
0xa9: {  	[dreg:$0x3] =	wrdreg s5  }
0xaa: {  	[dreg:$0x4] =	wrdreg $0xC0  }
0xab: {  	_ =	task [dreg:s7], $0x5FFFF  }
0xac: {  	[dreg:$0x1] =	wrdreg $0xFFFFFFFF  }
0xad: {  	[dreg:$0x0] =	wrdreg $0x60  }
0xae: {  	[dreg:$0x2] =	wrdreg s24  }
0xaf: {  	[dreg:$0x3] =	wrdreg s2  }
0xb0: {  	[dreg:$0x4] =	wrdreg $0x9  }
0xb1: {  	_ =	task.clear_ibuf [dreg:s7], $0x5FFFF;
	_ =	strace $0x90000046  }
0xb2: {  	s29 =	simm.s32 $0x9;
	_ =	strace $0x80000048  }
0xb3: {  	_ =	swait.ge [sflag:s29], $0x1  }
0xb4: {  	[sflag:s29] =	ssyncadd.s32 $0xFFFFFFFF  }
0xb5: {  	_ =	strace $0x90000048  }
0xb6: {  	_ =	sfence  }
0xb7: {  	s30 =	sld [smem:$0x0];
	_ =	sdelay $0x2  }
0xb8: {  	s31 =	sshll.u32 s1, $0xD;
	s1 =	sshrl.u32 s1, $0x2  }
0xb9: {  	s3 =	sand.u32 $0x4000, s31;
	s1 =	sadd.s32 s1, s30  }
0xba: {  	s0 =	sor.u32 s3, s0;
	s1 =	sshll.u32 s1, $0x11  }
0xbb: {  	s0 =	sor.u32 s1, s0  }
0xbc: {  	s0 =	sadd.s32 $0x8F2B, s0  }
0xbd: {  	[sflag:s0] =	ssyncadd.remote.s32 $0x1  }
0xbe: {  	_ =	sfence.sel $0xFFFF  }
0xbf: {  	[dreg:$0x0] =	wrdreg $0xFFFFFFFF;
	(pc) =	sbr.abs _section_cstart, $3  }
0xc0: {  	[dreg:$0x1] =	wrdreg $0xFFFFFFFF  }
0xc1: {  	_ =	task.clear_ibuf [dreg:s7], $0x2FFFF;
	_ =	strace $0x9FFFFFFF  }
0xc2: {  	(tm) =	ssettm $0x7FFFFFFF  }
0xc3: {  	_ =	shalt  }
tec
execute0_lowered:
.L_overlay_start_1:
0x0: {  	(tag) =	ssettag $0x1  }
0x1: {  	s1 =	srdreg.scid;
	s0 =	stileid.u32  }
0x2: {  	s5 =	rddreg [dreg:$0x0];
	s24 =	sand.u32 $0x1, s1;
	s31 =	sshll.u32 s0, $0x1  }
0x3: {  	s10 =	rddreg [dreg:$0x1];
	s11 =	sor.u32 s24, s31  }
0x4: {  	s2 =	simm.s32 $0x0;
	s1 =	rddreg [dreg:$0x2];
	s3 =	sshll.u32 s11, $0x7  }
0x5: {  	[smem:$0x7FF] =	sst s2;
	s3 =	sadd.s32 s3, s5  }
0x6: {  	_ =	strace $0x80000047;
	s4 =	sadd.s32 $0xC00, s3;
	s3 =	simm.s32 $0x3  }
0x7: {  	[tilespmem:s2], [sflag:$0x3] =	stream.linear.gather [hbm4b:s4+s2], $0x400, $0x38;
	[tilespmem:$0x8400] =	vst v63  }
0x8: {  	_ =	swait.ge [sflag:s3], $0x400  }
0x9: {  	s6 =	simm.s32 $0x80;
	[sflag:s3] =	ssyncset.done $0x0  }
0xa: {  	s7 =	simm.s32 $0x400;
	s5 =	sadd.s32 $0x1C00, s5;
	[sflag:s3] =	ssyncadd.s32 $0xFFFFFC00  }
0xb: {  	[tilespmem:s7], [sflag:$0x1] =	stream.indirect.gather [hbm4b:s5+s6], $0x80, s2, s6, $0xb8;
	[tilespmem:$0x8400] =	vst v63  }
0xc: {  	s8 =	simm.s32 $0x4400;
	s9 =	simm.s32 $0x1  }
0xd: {  	[tilespmem:s8], [sflag:$0x2] =	stream.indirect.gather [hbm4b:s5+s6], $0x80, s6, s6, $0xb8;
	[tilespmem:$0x8400] =	vst v63  }
0xe: {  	_ =	swait.ge [sflag:s9], $0x4000  }
0xf: {  	s11 =	sshll.u32 s11, $0xE;
	[sflag:s9] =	ssyncset.done $0x0  }
0x10: {  	s10 =	sadd.s32 s10, s11;
	[sflag:s9] =	ssyncadd.s32 $0xFFFFC000  }
0x11: {  	[hbm4b:s10+s2] =	stream.linear.scatter [tilespmem:s7], [sflag:$0x3], $0x4000, $0x38;
	[tilespmem:$0x8400] =	vst v63  }
0x12: {  	_ =	swait.ge [sflag:s3], $0x4000  }
0x13: {  	[sflag:s3] =	ssyncset.done $0x0  }
0x14: {  	s12 =	simm.s32 $0x2;
	s11 =	simm.s32 $0x100;
	[sflag:s3] =	ssyncadd.s32 $0xFFFFC000  }
0x15: {  	[tilespmem:s7], [sflag:$0x1] =	stream.indirect.gather [hbm4b:s5+s6], $0x80, s11, s6, $0xb8;
	[tilespmem:$0x8400] =	vst v63  }
0x16: {  	_ =	swait.ge [sflag:s12], $0x4000  }
0x17: {  	[sflag:s12] =	ssyncset.done $0x0  }
0x18: {  	s13 =	sadd.s32 $0x800, s10;
	[sflag:s12] =	ssyncadd.s32 $0xFFFFC000  }
0x19: {  	[hbm4b:s13+s2] =	stream.linear.scatter [tilespmem:s8], [sflag:$0x3], $0x4000, $0x38;
	[tilespmem:$0x8400] =	vst v63  }
0x1a: {  	_ =	swait.ge [sflag:s3], $0x4000  }
0x1b: {  	[sflag:s3] =	ssyncset.done $0x0  }
0x1c: {  	s14 =	simm.s32 $0x180;
	[sflag:s3] =	ssyncadd.s32 $0xFFFFC000  }
0x1d: {  	[tilespmem:s8], [sflag:$0x2] =	stream.indirect.gather [hbm4b:s5+s6], $0x80, s14, s6, $0xb8;
	[tilespmem:$0x8400] =	vst v63  }
0x1e: {  	_ =	swait.ge [sflag:s9], $0x4000  }
0x1f: {  	[sflag:s9] =	ssyncset.done $0x0  }
0x20: {  	s15 =	sadd.s32 $0x1000, s10;
	[sflag:s9] =	ssyncadd.s32 $0xFFFFC000  }
0x21: {  	[hbm4b:s15+s2] =	stream.linear.scatter [tilespmem:s7], [sflag:$0x3], $0x4000, $0x38;
	[tilespmem:$0x8400] =	vst v63  }
0x22: {  	_ =	swait.ge [sflag:s3], $0x4000  }
0x23: {  	[sflag:s3] =	ssyncset.done $0x0  }
0x24: {  	s16 =	simm.s32 $0x200;
	[sflag:s3] =	ssyncadd.s32 $0xFFFFC000  }
0x25: {  	[tilespmem:s7], [sflag:$0x1] =	stream.indirect.gather [hbm4b:s5+s6], $0x80, s16, s6, $0xb8;
	[tilespmem:$0x8400] =	vst v63  }
0x26: {  	_ =	swait.ge [sflag:s12], $0x4000  }
0x27: {  	[sflag:s12] =	ssyncset.done $0x0  }
0x28: {  	s17 =	sadd.s32 $0x1800, s10;
	[sflag:s12] =	ssyncadd.s32 $0xFFFFC000  }
0x29: {  	[hbm4b:s17+s2] =	stream.linear.scatter [tilespmem:s8], [sflag:$0x3], $0x4000, $0x38;
	[tilespmem:$0x8400] =	vst v63  }
0x2a: {  	_ =	swait.ge [sflag:s3], $0x4000  }
0x2b: {  	[sflag:s3] =	ssyncset.done $0x0  }
0x2c: {  	s18 =	simm.s32 $0x280;
	[sflag:s3] =	ssyncadd.s32 $0xFFFFC000  }
0x2d: {  	[tilespmem:s8], [sflag:$0x2] =	stream.indirect.gather [hbm4b:s5+s6], $0x80, s18, s6, $0xb8;
	[tilespmem:$0x8400] =	vst v63  }
0x2e: {  	_ =	swait.ge [sflag:s9], $0x4000  }
0x2f: {  	[sflag:s9] =	ssyncset.done $0x0  }
0x30: {  	s19 =	sadd.s32 $0x2000, s10;
	[sflag:s9] =	ssyncadd.s32 $0xFFFFC000  }
0x31: {  	[hbm4b:s19+s2] =	stream.linear.scatter [tilespmem:s7], [sflag:$0x3], $0x4000, $0x38;
	[tilespmem:$0x8400] =	vst v63  }
0x32: {  	_ =	swait.ge [sflag:s3], $0x4000  }
0x33: {  	[sflag:s3] =	ssyncset.done $0x0  }
0x34: {  	s20 =	simm.s32 $0x300;
	[sflag:s3] =	ssyncadd.s32 $0xFFFFC000  }
0x35: {  	[tilespmem:s7], [sflag:$0x1] =	stream.indirect.gather [hbm4b:s5+s6], $0x80, s20, s6, $0xb8;
	[tilespmem:$0x8400] =	vst v63  }
0x36: {  	_ =	swait.ge [sflag:s12], $0x4000  }
0x37: {  	[sflag:s12] =	ssyncset.done $0x0  }
0x38: {  	s21 =	sadd.s32 $0x2800, s10;
	[sflag:s12] =	ssyncadd.s32 $0xFFFFC000  }
0x39: {  	[hbm4b:s21+s2] =	stream.linear.scatter [tilespmem:s8], [sflag:$0x3], $0x4000, $0x38;
	[tilespmem:$0x8400] =	vst v63  }
0x3a: {  	_ =	swait.ge [sflag:s3], $0x4000  }
0x3b: {  	[sflag:s3] =	ssyncset.done $0x0  }
0x3c: {  	s22 =	simm.s32 $0x380;
	[sflag:s3] =	ssyncadd.s32 $0xFFFFC000  }
0x3d: {  	[tilespmem:s8], [sflag:$0x2] =	stream.indirect.gather [hbm4b:s5+s6], $0x80, s22, s6, $0xb8;
	[tilespmem:$0x8400] =	vst v63  }
0x3e: {  	_ =	swait.ge [sflag:s9], $0x4000  }
0x3f: {  	[sflag:s9] =	ssyncset.done $0x0  }
0x40: {  	s24 =	ssub.s32 $0x2, s24;
	s23 =	sadd.s32 $0x3000, s10;
	[sflag:s9] =	ssyncadd.s32 $0xFFFFC000  }
0x41: {  	[hbm4b:s23+s2] =	stream.linear.scatter [tilespmem:s7], [sflag:$0x3], $0x4000, $0x38;
	[tilespmem:$0x8400] =	vst v63  }
0x42: {  	s25 =	sshrl.u32 s24, $0x1;
	_ =	swait.ge [sflag:s3], $0x4000  }
0x43: {  	s25 =	ssub.s32 s24, s25;
	[sflag:s3] =	ssyncset.done $0x0  }
0x44: {  	s25 =	smax.u32 s25, $0x1;
	[sflag:s3] =	ssyncadd.s32 $0xFFFFC000  }
0x45: {  	p0 =	sne.s32 s25, $0x1;
	_ =	swait.ge [sflag:s12], $0x4000  }
.Ltmp0:
0x46: {  	[sflag:s12] =	ssyncset.done $0x0;
	(pc) =	sbr.rel @!p0 .LBB2_2-.Ltmp0, $4  }
0x47: {  	s24 =	sadd.s32 $0x3800, s10;
	[sflag:s12] =	ssyncadd.s32 $0xFFFFC000  }
0x48: {  	[hbm4b:s24+s2] =	stream.linear.scatter [tilespmem:s8], [sflag:$0x3], $0x4000, $0x38;
	[tilespmem:$0x8400] =	vst v63  }
0x49: {  	_ =	swait.ge [sflag:s3], $0x4000  }
0x4a: {  	s25 =	sadd.s32 $0xFFFFFFFF, s25;
	[sflag:s3] =	ssyncset.done $0x0  }
.LBB2_1:
0x4b: {  	p0 =	sne.s32 s25, $0x1;
	s25 =	sadd.s32 $0xFFFFFFFF, s25;
	[sflag:s3] =	ssyncadd.s32 $0xFFFFC000  }
0x4c: {  	[tilespmem:s2], [sflag:$0x3] =	stream.linear.gather [hbm4b:s4+s2], $0x400, $0x38;
	[tilespmem:$0x8400] =	vst v63  }
0x4d: {  	_ =	swait.ge [sflag:s3], $0x400  }
0x4e: {  	[sflag:s3] =	ssyncset.done $0x0  }
0x4f: {  	[sflag:s3] =	ssyncadd.s32 $0xFFFFFC00  }
0x50: {  	[tilespmem:s7], [sflag:$0x1] =	stream.indirect.gather [hbm4b:s5+s6], $0x80, s2, s6, $0xb8;
	[tilespmem:$0x8400] =	vst v63  }
0x51: {  	_ = 	snop  }
0x52: {  	[tilespmem:s8], [sflag:$0x2] =	stream.indirect.gather [hbm4b:s5+s6], $0x80, s6, s6, $0xb8;
	[tilespmem:$0x8400] =	vst v63  }
0x53: {  	_ =	swait.ge [sflag:s9], $0x4000  }
0x54: {  	[sflag:s9] =	ssyncset.done $0x0  }
0x55: {  	[sflag:s9] =	ssyncadd.s32 $0xFFFFC000  }
0x56: {  	[hbm4b:s10+s2] =	stream.linear.scatter [tilespmem:s7], [sflag:$0x3], $0x4000, $0x38;
	[tilespmem:$0x8400] =	vst v63  }
0x57: {  	_ =	swait.ge [sflag:s3], $0x4000  }
0x58: {  	[sflag:s3] =	ssyncset.done $0x0  }
0x59: {  	[sflag:s3] =	ssyncadd.s32 $0xFFFFC000  }
0x5a: {  	[tilespmem:s7], [sflag:$0x1] =	stream.indirect.gather [hbm4b:s5+s6], $0x80, s11, s6, $0xb8;
	[tilespmem:$0x8400] =	vst v63  }
0x5b: {  	_ =	swait.ge [sflag:s12], $0x4000  }
0x5c: {  	[sflag:s12] =	ssyncset.done $0x0  }
0x5d: {  	[sflag:s12] =	ssyncadd.s32 $0xFFFFC000  }
0x5e: {  	[hbm4b:s13+s2] =	stream.linear.scatter [tilespmem:s8], [sflag:$0x3], $0x4000, $0x38;
	[tilespmem:$0x8400] =	vst v63  }
0x5f: {  	_ =	swait.ge [sflag:s3], $0x4000  }
0x60: {  	[sflag:s3] =	ssyncset.done $0x0  }
0x61: {  	[sflag:s3] =	ssyncadd.s32 $0xFFFFC000  }
0x62: {  	[tilespmem:s8], [sflag:$0x2] =	stream.indirect.gather [hbm4b:s5+s6], $0x80, s14, s6, $0xb8;
	[tilespmem:$0x8400] =	vst v63  }
0x63: {  	_ =	swait.ge [sflag:s9], $0x4000  }
0x64: {  	[sflag:s9] =	ssyncset.done $0x0  }
0x65: {  	[sflag:s9] =	ssyncadd.s32 $0xFFFFC000  }
0x66: {  	[hbm4b:s15+s2] =	stream.linear.scatter [tilespmem:s7], [sflag:$0x3], $0x4000, $0x38;
	[tilespmem:$0x8400] =	vst v63  }
0x67: {  	_ =	swait.ge [sflag:s3], $0x4000  }
0x68: {  	[sflag:s3] =	ssyncset.done $0x0  }
0x69: {  	[sflag:s3] =	ssyncadd.s32 $0xFFFFC000  }
0x6a: {  	[tilespmem:s7], [sflag:$0x1] =	stream.indirect.gather [hbm4b:s5+s6], $0x80, s16, s6, $0xb8;
	[tilespmem:$0x8400] =	vst v63  }
0x6b: {  	_ =	swait.ge [sflag:s12], $0x4000  }
0x6c: {  	[sflag:s12] =	ssyncset.done $0x0  }
0x6d: {  	[sflag:s12] =	ssyncadd.s32 $0xFFFFC000  }
0x6e: {  	[hbm4b:s17+s2] =	stream.linear.scatter [tilespmem:s8], [sflag:$0x3], $0x4000, $0x38;
	[tilespmem:$0x8400] =	vst v63  }
0x6f: {  	_ =	swait.ge [sflag:s3], $0x4000  }
0x70: {  	[sflag:s3] =	ssyncset.done $0x0  }
0x71: {  	[sflag:s3] =	ssyncadd.s32 $0xFFFFC000  }
0x72: {  	[tilespmem:s8], [sflag:$0x2] =	stream.indirect.gather [hbm4b:s5+s6], $0x80, s18, s6, $0xb8;
	[tilespmem:$0x8400] =	vst v63  }
0x73: {  	_ =	swait.ge [sflag:s9], $0x4000  }
0x74: {  	[sflag:s9] =	ssyncset.done $0x0  }
0x75: {  	[sflag:s9] =	ssyncadd.s32 $0xFFFFC000  }
0x76: {  	[hbm4b:s19+s2] =	stream.linear.scatter [tilespmem:s7], [sflag:$0x3], $0x4000, $0x38;
	[tilespmem:$0x8400] =	vst v63  }
0x77: {  	_ =	swait.ge [sflag:s3], $0x4000  }
0x78: {  	[sflag:s3] =	ssyncset.done $0x0  }
0x79: {  	[sflag:s3] =	ssyncadd.s32 $0xFFFFC000  }
0x7a: {  	[tilespmem:s7], [sflag:$0x1] =	stream.indirect.gather [hbm4b:s5+s6], $0x80, s20, s6, $0xb8;
	[tilespmem:$0x8400] =	vst v63  }
0x7b: {  	_ =	swait.ge [sflag:s12], $0x4000  }
0x7c: {  	[sflag:s12] =	ssyncset.done $0x0  }
0x7d: {  	[sflag:s12] =	ssyncadd.s32 $0xFFFFC000  }
0x7e: {  	[hbm4b:s21+s2] =	stream.linear.scatter [tilespmem:s8], [sflag:$0x3], $0x4000, $0x38;
	[tilespmem:$0x8400] =	vst v63  }
0x7f: {  	_ =	swait.ge [sflag:s3], $0x4000  }
0x80: {  	[sflag:s3] =	ssyncset.done $0x0  }
0x81: {  	[sflag:s3] =	ssyncadd.s32 $0xFFFFC000  }
0x82: {  	[tilespmem:s8], [sflag:$0x2] =	stream.indirect.gather [hbm4b:s5+s6], $0x80, s22, s6, $0xb8;
	[tilespmem:$0x8400] =	vst v63  }
0x83: {  	_ =	swait.ge [sflag:s9], $0x4000  }
0x84: {  	[sflag:s9] =	ssyncset.done $0x0  }
0x85: {  	[sflag:s9] =	ssyncadd.s32 $0xFFFFC000  }
0x86: {  	[hbm4b:s23+s2] =	stream.linear.scatter [tilespmem:s7], [sflag:$0x3], $0x4000, $0x38;
	[tilespmem:$0x8400] =	vst v63  }
0x87: {  	_ =	swait.ge [sflag:s3], $0x4000  }
0x88: {  	[sflag:s3] =	ssyncset.done $0x0  }
0x89: {  	[sflag:s3] =	ssyncadd.s32 $0xFFFFC000  }
0x8a: {  	_ =	swait.ge [sflag:s12], $0x4000  }
.Ltmp1:
0x8b: {  	[sflag:s12] =	ssyncset.done $0x0;
	(pc) =	sbr.rel @p0 .LBB2_1-.Ltmp1, $4  }
0x8c: {  	[sflag:s12] =	ssyncadd.s32 $0xFFFFC000  }
0x8d: {  	[hbm4b:s24+s2] =	stream.linear.scatter [tilespmem:s8], [sflag:$0x3], $0x4000, $0x38;
	[tilespmem:$0x8400] =	vst v63  }
0x8e: {  	_ =	swait.ge [sflag:s3], $0x4000  }
0x8f: {  	[sflag:s3] =	ssyncset.done $0x0  }
.LBB2_2:
0x90: {  	[sflag:s3] =	ssyncadd.s32 $0xFFFFC000  }
0x91: {  	_ =	sfence.sel $0x180000  }
0x92: {  	[bflag:$0x0] =	sbarrier.arrive $0xFFFF  }
0x93: {  	p0 =	sne.s32 s0, $0x0;
	_ =	strace $0x90000047  }
0x94: {  	s0 =	sadd.s32 @!p0 $0x100000, s1;
	[bflag:$0x2] =	sbarrier.arrive $0xFFFF  }
0x95: {  	[sflag:s0] =	ssyncadd.tile.s32 @!p0 $0x1;
	_ =	shalt  }
.Lfunc_end2:
_tile_overlayer_lowered:
.L_overlay_start_2:
0x96: {  	(tag) =	ssettag $0x2  }
0x97: {  	s0 =	rddreg [dreg:$0x0];
	s2 =	stileid.u32  }
0x98: {  	s1 =	rddreg [dreg:$0x1];
	p0 =	sne.s32 s2, $0x0  }
0x99: {  	s3 =	rddreg [dreg:$0x2];
	[bflag:$0x3] =	sbarrier.arrive $0xFFFF;
	s2 =	simm.s32 @!p0 $0x1C03  }
0x9a: {  	[timem:s3], [sflag:s2] =	dma.local @!p0 [hbm:s0], s1  }
0x9b: {  	s0 =	simm.s32 @!p0 $0x3  }
0x9c: {  	_ =	swait.ge @!p0 [sflag:s0], s1  }
0x9d: {  	s1 =	ssub.s32 @!p0 $0x0, s1;
	[sflag:s0] =	ssyncset.done @!p0 $0x0  }
0x9e: {  	[sflag:s0] =	ssyncadd.s32 @!p0 s1  }
0x9f: {  	[bflag:$0x3] =	sbarrier.arrive $0xFFFF  }
0xa0: {  	_ =	shalt  }

// kernel: sparse-core-data-format-call.cloned.1.call-start
scs
called_computation_lowered:
.L_overlay_start_0:
0x0: {  	s2 =	sld [smem:$0x3FD9]  }
0x1: {  	s3 =	sld [smem:$0x3FFE];
	_ =	sdelay $0x1  }
0x2: {  	s1 =	srdreg.scid  }
0x3: {  	s0 =	sand.u32 $0x1, s1  }
0x4: {  	s18 =	sshll.u32 s0, $0xA;
	s2 =	sadd.s32 s3, s2  }
0x5: {  	s2 =	sadd.s32 s2, s18  }
0x6: {  	[smem:$0x3FC3] =	sst s2  }
0x7: {  	_ = 	snop  }
0x8: {  	s2 =	sld [smem:$0x3FD0];
	(tm) =	ssettm $0x1  }
0x9: {  	s19 =	sld [smem:$0x3FFB];
	_ =	sdelay $0x3  }
0xa: {  	_ =	strace s19  }
0xb: {  	s3 =	sld [smem:$0x3FFC];
	_ =	sdelay $0x3  }
0xc: {  	_ =	strace s3  }
0xd: {  	s3 =	sld [smem:$0x3FFD];
	_ =	sdelay $0x3  }
0xe: {  	_ =	strace s3  }
0xf: {  	_ =	strace $0x8FFFFFFF  }
0x10: {  	s20 =	sld [smem:$0x3FDB];
	_ =	sdelay $0x1  }
0x11: {  	s4 =	simm.s32 $_scs_section_size  }
0x12: {  	s5 =	simm.s32 $_size__tile_overlayer_lowered;
	s6 =	simm.s32 $_tile_overlayer_lowered  }
0x13: {  	s23 =	simm.s32 $0x1BFF;
	s22 =	sshll.u32 s6, $0x1;
	s3 =	sadd.s32 s4, s20  }
0x14: {  	s7 =	simm.s32 $0x0;
	s21 =	sshll.u32 s5, $0x1;
	s5 =	sadd.s32 s22, s3  }
0x15: {  	[timem:s7], [sflag:s23] =	dma.local [hbm:s5], s21  }
0x16: {  	_ =	swait.ge [sflag:s23], s21  }
0x17: {  	s4 =	ssub.s32 $0x0, s21;
	[sflag:s23] =	ssyncset.done $0x0  }
0x18: {  	[sflag:s23] =	ssyncadd.s32 s4;
	_ =	sdelay $0x1  }
0x19: {  	s24 =	simm.s32 $0x1B8B  }
0x1a: {  	_ =	swait.ge [sflag:s24], $0x1  }
0x1b: {  	[sflag:s24] =	ssyncset.done $0x0  }
0x1c: {  	s26 =	simm.s32 $0x1B8E;
	s25 =	sld [smem:$0x3FFE];
	[sflag:s24] =	ssyncadd.s32 $0xFFFFFFFF  }
0x1d: {  	s27 =	simm.s32 $execute0_lowered;
	[smem:$0x3FD2] =	sst s26  }
0x1e: {  	s5 =	sshll.u32 s27, $0x1;
	_ =	strace $0x80000049;
	[dreg:$0x1] =	wrdreg $0xFFFFFFFF  }
0x1f: {  	s28 =	simm.s32 $_size_execute0_lowered;
	s3 =	sadd.s32 s3, s5;
	[dreg:$0x0] =	wrdreg $0x0  }
0x20: {  	s5 =	sshll.u32 s28, $0x1;
	[dreg:$0x2] =	wrdreg s3  }
0x21: {  	[dreg:$0x3] =	wrdreg s5  }
0x22: {  	[dreg:$0x4] =	wrdreg $0xC0  }
0x23: {  	_ =	task [dreg:s7], $0x5FFFF  }
0x24: {  	[dreg:$0x1] =	wrdreg $0xFFFFFFFF  }
0x25: {  	[dreg:$0x0] =	wrdreg $0x60  }
0x26: {  	[dreg:$0x2] =	wrdreg s25  }
0x27: {  	[dreg:$0x3] =	wrdreg s2  }
0x28: {  	[dreg:$0x4] =	wrdreg $0x9  }
0x29: {  	_ =	task.clear_ibuf [dreg:s7], $0x5FFFF;
	_ =	strace $0x90000049  }
0x2a: {  	s29 =	simm.s32 $0x9;
	_ =	strace $0x8000004B  }
0x2b: {  	_ =	swait.ge [sflag:s29], $0x1  }
0x2c: {  	[sflag:s29] =	ssyncadd.s32 $0xFFFFFFFF  }
0x2d: {  	_ =	strace $0x9000004B  }
0x2e: {  	_ =	sfence  }
0x2f: {  	s30 =	sld [smem:$0x0];
	_ =	sdelay $0x2  }
0x30: {  	s31 =	sshll.u32 s1, $0xD;
	s1 =	sshrl.u32 s1, $0x2  }
0x31: {  	s3 =	sand.u32 $0x4000, s31;
	s1 =	sadd.s32 s1, s30  }
0x32: {  	s0 =	sor.u32 s3, s0;
	s1 =	sshll.u32 s1, $0x11  }
0x33: {  	s0 =	sor.u32 s1, s0  }
0x34: {  	s0 =	sadd.s32 $0x8F2B, s0  }
0x35: {  	[sflag:s0] =	ssyncadd.remote.s32 $0x1  }
0x36: {  	_ =	sfence.sel $0xFFFF  }
0x37: {  	[dreg:$0x0] =	wrdreg $0xFFFFFFFF;
	(pc) =	sbr.abs _section_cstart, $3  }
0x38: {  	[dreg:$0x1] =	wrdreg $0xFFFFFFFF  }
0x39: {  	_ =	task.clear_ibuf [dreg:s7], $0x2FFFF;
	_ =	strace $0x9FFFFFFF  }
0x3a: {  	(tm) =	ssettm $0x7FFFFFFF  }
0x3b: {  	_ =	shalt  }
tec
execute0_lowered:
.L_overlay_start_1:
0x0: {  	(tag) =	ssettag $0x1  }
0x1: {  	s5 =	rddreg [dreg:$0x0]  }
0x2: {  	s0 =	srdreg.scid;
	s3 =	rddreg [dreg:$0x1];
	s7 =	simm.s32 $0x1  }
0x3: {  	s8 =	simm.s32 $0x2;
	s16 =	simm.s32 $0x0;
	s1 =	sshll.u32 s0, $0x4  }
0x4: {  	s18 =	simm.s32 $0x0;
	s0 =	stileid.u32;
	s1 =	sand.u32 $0x10, s1  }
0x5: {  	s17 =	simm.s32 $0x0;
	s9 =	simm.s32 $0x0;
	s1 =	sor.u32 s0, s1  }
0x6: {  	s10 =	simm.s32 $0x0;
	s11 =	simm.s32 $0x0;
	s2 =	sshll.u32 s1, $0x7  }
0x7: {  	s12 =	simm.s32 $0x0;
	s13 =	simm.s32 $0x0;
	s6 =	ssub.s32 $0x1000, s2  }
0x8: {  	s15 =	simm.s32 $0x0;
	s5 =	sadd.s32 $0xC00, s5;
	s4 =	sand.u32 $0xF80, s6  }
.Ltmp0:
0x9: {  	s1 =	rddreg [dreg:$0x2];
	p0 =	sne.s32 s4, $0x0;
	(pc) =	sbr.rel .LBB1_1-.Ltmp0, $4  }
0xa: {  	_ =	strace $0x8000004A;
	s6 =	sshrl.u32 s6, $0xC;
	s7 =	simm.s32 @!p0 $0x0  }
0xb: {  	s14 =	smov.u32 s2;
	s4 =	simm.s32 $0x1;
	s6 =	sadd.s32 s7, s6  }
0xc: {  	[sflag:s4] =	ssyncpa.u1 $0x0;
	p0 =	por $0x0, $0x0;
	s6 =	sshll.u32 s6, $0x6  }
0xd: {  	[sflag:s8] =	ssyncpa.u1 $0x0;
	s8 =	simm.s32 $0x8000;
	s7 =	sor.u32 $0x1, s6  }
.LBB1_4:
0xe: {  	s23 =	sshra.s32 s23, $0x2;
	s30 =	sshll.u32 s9, $0xC  }
0xf: {  	p1 =	sgt.s32 s10, $0x7;
	s24 =	smov.u32 s10;
	s25 =	sshra.s32 s10, $0x1F  }
0x10: {  	s26 =	sshll.u32 s11, $0x3;
	s28 =	smov.u32 s11;
	s29 =	sshra.s32 s11, $0x1F  }
0x11: {  	s22 =	sadd.s32 s23, s22;
	s24 =	simm.s32 @!p1 $0x7;
	s25 =	sand.u32 s25, s10  }
0x12: {  	s23 =	sand.u32 $0xFFFF8000, s30;
	s27 =	sand.u32 $0xFFFFFC00, s26;
	p1 =	sgt.s32 s9, $0x368  }
0x13: {  	s31 =	sand.u32 s29, s11;
	s29 =	sshll.u32 s9, $0x7;
	s30 =	sshra.s32 s9, $0x1F  }
0x14: {  	[tilespmem:s21+$0x2040 ss:$0x81] =	vst.msk $0xffff, v4;
	s24 =	ssub.s32 s24, s25;
	s23 =	sadd.s32 s27, s23;
	s27 =	smov.u32 s9  }
0x15: {  	[tilespmem:s21+$0x2850 ss:$0x81] =	vst.msk $0xffff, v3;
	s29 =	sand.u32 $0x380, s29;
	s25 =	sadd.s32 $0xFFFFFFF9, s24;
	s27 =	simm.s32 @!p1 $0x368  }
0x16: {  	v5 =	vld [tilespmem:s20+$0xFFFFFFD0];
	[tilespmem:s21+$0x3060 ss:$0x81] =	vst.msk $0xffff, v2;
	p1 =	sgt.s32 s11, $0xF80;
	s23 =	sshrl.u32 s23, $0xC;
	s24 =	ssub.s32 $0x8, s24  }
0x17: {  	v58 =	vld [tilespmem:s20+$0xFFFFFFE0];
	[tilespmem:s21+$0x0 ss:$0x81] =	vst.msk $0xffff, v1;
	s28 =	simm.s32 @!p1 $0xF80;
	p1 =	sgt.s32 s25, $0x0;
	s21 =	smulhi.u32 $0x418938, s23  }
0x18: {  	v59 =	vld [tilespmem:s20+$0xFFFFFFF0];
	s25 =	ssub.s32 s28, s31;
	s28 =	sand.u32 s30, s9;
	s24 =	simm.s32 @p1 $0x0  }
0x19: {  	v60 =	vld [tilespmem:s20+$0x0];
	s27 =	ssub.s32 s27, s28;
	s31 =	sadd.s32 $0xFFFFF080, s25;
	s25 =	ssub.s32 $0x1000, s25  }
0x1a: {  	v61 =	vld [tilespmem:s20+$0x10];
	[tilespmem:s22+$0x3870 ss:$0x81] =	vst.msk $0xffff, v0;
	s21 =	smul.u32 $0x3E8, s21;
	s28 =	sand.u32 $0x7, s11;
	p1 =	sgt.s32 s31, $0x7F  }
0x1b: {  	v62 =	vld [tilespmem:s20+$0x20];
	[tilespmem:s22+$0x810 ss:$0x81] =	vst.msk $0xffff, v5;
	s30 =	sadd.s32 $0xFFFFFC98, s27;
	s31 =	sand.u32 $0x78, s11;
	s25 =	simm.s32 @p1 $0x0  }
0x1c: {  	v63 =	vld [tilespmem:s20+$0xFFFFFFC0];
	[tilespmem:s22+$0x1020 ss:$0x81] =	vst.msk $0xffff, v58;
	p1 =	sgt.s32 s30, $0x7F;
	s30 =	sand.u32 $0xC00, s26;
	s24 =	smul.u32 s25, s24  }
0x1d: {  	[tilespmem:s22+$0x1830 ss:$0x81] =	vst.msk $0xffff, v59;
	s26 =	ssub.s32 $0x3E8, s27;
	s20 =	sor.u32 s31, s30;
	s31 =	smul.u32 $0x7D000, s10  }
0x1e: {  	[tilespmem:s22+$0x2040 ss:$0x81] =	vst.msk $0xffff, v60;
	s21 =	ssub.s32 s23, s21;
	s26 =	simm.s32 @p1 $0x0;
	s20 =	sor.u32 s29, s20  }
0x1f: {  	[tilespmem:s22+$0x2850 ss:$0x81] =	vst.msk $0xffff, v61;
	s26 =	smul.u32 s26, s24;
	s20 =	sshrl.u32 s20, $0x3;
	s27 =	sadd.s32 s3, s31  }
0x20: {  	[tilespmem:s22+$0x3060 ss:$0x81] =	vst.msk $0xffff, v62;
	s21 =	sshll.u32 s21, $0x9;
	s29 =	sshll.u32 s28, $0x12;
	s20 =	sadd.s32 s20, s27  }
0x21: {  	[tilespmem:s22+$0x0 ss:$0x81] =	vst.msk $0xffff, v63;
	s31 =	sor.u32 $0x400, s29;
	s30 =	sand.u32 $0x3FFFFFFF, s26;
	s20 =	sadd.s32 s21, s20  }
0x22: {  	[hbm4b:s20+s31] =	stream.strided.scatter [tilespmem:s19], [sflag:$0x2], s30, s8, s31, $0x20;
	[tilespmem:$0x10100] =	vst v63  }
.LBB1_5:
0x23: {  	p1 =	slt.u32 s15, $0x2  }
0x24: {  	p2 =	sgt.s32 @!p1 s18, $0x7  }
0x25: {  	s19 =	smov.u32 s18;
	s20 =	sshra.s32 @!p1 s18, $0x1F;
	p2 =	por !p2, p1  }
0x26: {  	s18 =	sand.u32 @!p1 s20, s18;
	s19 =	simm.s32 @p2 $0x7  }
0x27: {  	p3 =	sgt.s32 @!p1 s16, $0x368;
	s18 =	ssub.s32 @!p1 s19, s18  }
0x28: {  	p4 =	sgt.s32 @!p1 s17, $0xF80;
	s21 =	sshra.s32 @!p1 s17, $0x1F;
	s19 =	sadd.s32 @!p1 $0xFFFFFFF9, s18  }
0x29: {  	s20 =	smov.u32 s16;
	p2 =	sgt.s32 @!p1 s19, $0x0;
	s19 =	sshra.s32 @!p1 s16, $0x1F  }
0x2a: {  	p4 =	por !p4, p1;
	s16 =	sand.u32 @!p1 s19, s16;
	s19 =	smov.u32 s17  }
0x2b: {  	p3 =	por !p3, p1;
	s17 =	sand.u32 @!p1 s21, s17;
	s19 =	simm.s32 @p4 $0xF80  }
0x2c: {  	s20 =	simm.s32 @p3 $0x368;
	s18 =	ssub.s32 @!p1 $0x8, s18;
	s17 =	ssub.s32 @!p1 s19, s17  }
0x2d: {  	p2 =	por !p2, p1;
	s16 =	ssub.s32 @!p1 s20, s16;
	s20 =	sadd.s32 @!p1 $0xFFFFF080, s17  }
0x2e: {  	s18 =	simm.s32 @!p2 $0x0;
	p3 =	sgt.s32 @!p1 s20, $0x7F  }
0x2f: {  	s19 =	sadd.s32 @!p1 $0xFFFFFC98, s16;
	s17 =	ssub.s32 @!p1 $0x1000, s17;
	p3 =	por !p3, p1  }
0x30: {  	p2 =	sgt.s32 @!p1 s19, $0x7F;
	s19 =	sadd.s32 $0x80, s12;
	s17 =	simm.s32 @!p3 $0x0  }
0x31: {  	p3 =	sgt.s32 s19, $0x3E7;
	s17 =	smul.u32 @!p1 s17, s18;
	s18 =	simm.s32 $0x1  }
0x32: {  	s16 =	ssub.s32 @!p1 $0x3E8, s16;
	p2 =	por !p2, p1;
	s18 =	simm.s32 @!p3 $0x0  }
0x33: {  	s21 =	smov.u32 s14;
	s16 =	simm.s32 @!p2 $0x0;
	s20 =	sadd.s32 s18, s13  }
0x34: {  	s16 =	smul.u32 @!p1 s16, s17;
	s17 =	sadd.s32 $0x1000, s14;
	p2 =	sgt.s32 s20, $0x7  }
0x35: {  	p0 =	por !p0, !p0;
	s22 =	simm.s32 @!p1 $0x2;
	s21 =	smov.u32 @p2 s17  }
0x36: {  	s19 =	simm.s32 @p3 $0x0;
	s20 =	simm.s32 @p2 $0x0;
	p2 =	sgt.s32 s21, $0xFFF  }
0x37: {  	s18 =	smov.u32 s10;
	s21 =	smov.u32 @p2 s2;
	p2 =	sne.s32 s15, s7  }
.Ltmp1:
0x38: {  	s10 =	smov.u32 s13;
	s16 =	sand.u32 @!p1 $0x3FFFFFFF, s16;
	(pc) =	sbr.rel @!p2 .LBB1_6-.Ltmp1, $4  }
0x39: {  	s17 =	smov.u32 s11;
	s11 =	smov.u32 s14;
	_ =	swait.ge @!p1 [sflag:s22], s16  }
0x3a: {  	s23 =	ssub.s32 @!p1 $0x0, s16;
	s16 =	smov.u32 s9;
	s9 =	smov.u32 s12  }
0x3b: {  	s12 =	smov.u32 s19;
	s13 =	smov.u32 s20;
	[sflag:s22] =	ssyncset.done @!p1 $0x0  }
0x3c: {  	s15 =	sadd.s32 $0x1, s15;
	[sflag:s22] =	ssyncadd.s32 @!p1 s23;
	s14 =	smov.u32 s21  }
.LBB1_1:
0x3d: {  	p1 =	sge.u32 s15, s6  }
0x3e: {  	s31 =	sadd.s32 $0xFFFFFFFF, s15;
	s19 =	sxor.u32 @!p1 $0xFFFFFFFF, s15;
	s20 =	sshll.u32 @!p1 s13, $0x7  }
0x3f: {  	s21 =	sand.u32 @!p1 $0x78, s12;
	s22 =	sshll.u32 @!p1 s14, $0xA;
	s20 =	sand.u32 @!p1 $0x380, s20  }
0x40: {  	s22 =	sadd.s32 @!p1 s5, s22;
	s20 =	sor.u32 @!p1 s21, s20;
	s21 =	sand.u32 @!p1 $0x380, s12  }
0x41: {  	s19 =	sshll.u32 @!p1 s19, $0xE;
	s21 =	sadd.s32 @!p1 s21, s22;
	s22 =	sand.u32 @!p1 $0x7, s12  }
0x42: {  	s19 =	sand.u32 @!p1 $0x4000, s19;
	s20 =	sshrl.u32 @!p1 s20, $0x3;
	s22 =	sshll.u32 @!p1 s22, $0x12  }
0x43: {  	s20 =	sadd.s32 @!p1 s20, s21;
	s21 =	sor.u32 @!p1 $0x80, s22;
	s22 =	simm.s32 @!p1 $0x2000  }
0x44: {  	[tilespmem:s19], [sflag:$0x1] =	stream.strided.gather @!p1 [hbm4b:s20+s21], $0x4000, s22, s21, $0x38;
	[tilespmem:$0x10100] =	vst v63  }
0x45: {  	p1 =	sge.u32 s31, s6  }
.Ltmp2:
0x46: {  	_ = 	snop;
	(pc) =	sbr.rel @p1 .LBB1_5-.Ltmp2, $1  }
0x47: {  	_ =	sdelay $0x3  }
0x48: {  	s19 =	simm.s32 $0x1  }
0x49: {  	_ =	swait.ge [sflag:s4], $0x4000;
	s19 =	simm.s32 @!p0 $0x0  }
0x4a: {  	[sflag:s4] =	ssyncset.done $0x0;
	s20 =	sshll.u32 s19, $0xE  }
0x4b: {  	[sflag:s4] =	ssyncadd.s32 $0xFFFFC000;
	s20 =	sor.u32 $0x40, s20  }
0x4c: {  	s19 =	smul.u32 $0x10200, s19;
	v0 =	vld [tilespmem:s20+$0x30]  }
0x4d: {  	v1 =	vld [tilespmem:s20+$0xFFFFFFD0]  }
0x4e: {  	s19 =	sshrl.u32 s19, $0x2;
	v5 =	vld [tilespmem:s20+$0xFFFFFFE0]  }
0x4f: {  	v6 =	vld [tilespmem:s20+$0xFFFFFFF0];
	s22 =	sor.u32 $0x8000, s19  }
0x50: {  	s31 =	sand.u32 $0x1, s15;
	v4 =	vld [tilespmem:s20+$0x0];
	s21 =	sadd.s32 $0x0, s22  }
0x51: {  	v3 =	vld [tilespmem:s20+$0x10];
	s19 =	smul.u32 $0x10200, s31;
	[tilespmem:s21+$0x3870 ss:$0x81] =	vst.msk $0xffff, v0  }
0x52: {  	v2 =	vld [tilespmem:s20+$0x20];
	[tilespmem:s21+$0x810 ss:$0x81] =	vst.msk $0xffff, v1  }
0x53: {  	s19 =	sshrl.u32 s19, $0x2;
	v1 =	vld [tilespmem:s20+$0xFFFFFFC0];
	[tilespmem:s21+$0x1020 ss:$0x81] =	vst.msk $0xffff, v5;
	s20 =	sadd.s32 $0x80, s20  }
0x54: {  	s23 =	simm.s32 $0x4;
	s24 =	simm.s32 $0x8;
	s19 =	sor.u32 $0x8000, s19;
	[tilespmem:s21+$0x1830 ss:$0x81] =	vst.msk $0xffff, v6;
	v0 =	vld [tilespmem:s20+$0x30]  }
.LBB1_3:
0x55: {  	p1 =	sne.s32 s24, $0x1FC;
	v5 =	vld [tilespmem:s20+$0xFFFFFFD0];
	[tilespmem:s21+$0x2040 ss:$0x81] =	vst.msk $0xffff, v4  }
0x56: {  	v6 =	vld [tilespmem:s20+$0xFFFFFFE0];
	[tilespmem:s21+$0x2850 ss:$0x81] =	vst.msk $0xffff, v3  }
0x57: {  	s25 =	sshra.s32 s23, $0x2;
	s23 =	smov.u32 s24;
	v7 =	vld [tilespmem:s20+$0xFFFFFFF0];
	[tilespmem:s21+$0x3060 ss:$0x81] =	vst.msk $0xffff, v2  }
.Ltmp3:
0x58: {  	v4 =	vld [tilespmem:s20+$0x0];
	[tilespmem:s21+$0x0 ss:$0x81] =	vst.msk $0xffff, v1;
	s21 =	sadd.s32 s25, s22;
	(pc) =	sbr.rel @p1 .LBB1_3-.Ltmp3, $4  }
0x59: {  	v3 =	vld [tilespmem:s20+$0x10];
	[tilespmem:s21+$0x3870 ss:$0x81] =	vst.msk $0xffff, v0  }
0x5a: {  	[tilespmem:s21+$0x810 ss:$0x81] =	vst.msk $0xffff, v5;
	v2 =	vld [tilespmem:s20+$0x20]  }
0x5b: {  	v1 =	vld [tilespmem:s20+$0xFFFFFFC0];
	[tilespmem:s21+$0x1020 ss:$0x81] =	vst.msk $0xffff, v6;
	s20 =	sadd.s32 $0x80, s20  }
0x5c: {  	s24 =	sadd.s32 $0x4, s24;
	v0 =	vld [tilespmem:s20+$0x30];
	[tilespmem:s21+$0x1830 ss:$0x81] =	vst.msk $0xffff, v7  }
.Ltmp4:
0x5d: {  	_ = 	snop;
	(pc) =	sbr.rel .LBB1_4-.Ltmp4, $1  }
0x5e: {  	_ =	sdelay $0x3  }
.LBB1_6:
0x5f: {  	_ =	sfence.sel $0x180000  }
0x60: {  	s2 =	simm.s32 $0x1;
	[bflag:$0x0] =	sbarrier.arrive $0xFFFF  }
0x61: {  	s31 =	simm.s32 $0x2;
	[sflag:s2] =	ssyncpa.u1 $0x1  }
0x62: {  	[sflag:s31] =	ssyncpa.u1 $0x1  }
0x63: {  	p0 =	sne.s32 s0, $0x0;
	_ =	strace $0x9000004A  }
0x64: {  	s0 =	sadd.s32 @!p0 $0x100000, s1;
	[bflag:$0x2] =	sbarrier.arrive $0xFFFF  }
0x65: {  	[sflag:s0] =	ssyncadd.tile.s32 @!p0 $0x1;
	_ =	shalt  }
.Lfunc_end1:
_tile_overlayer_lowered:
.L_overlay_start_2:
0x66: {  	(tag) =	ssettag $0x2  }
0x67: {  	s0 =	rddreg [dreg:$0x0];
	s2 =	stileid.u32  }
0x68: {  	s1 =	rddreg [dreg:$0x1];
	p0 =	sne.s32 s2, $0x0  }
0x69: {  	s3 =	rddreg [dreg:$0x2];
	[bflag:$0x3] =	sbarrier.arrive $0xFFFF;
	s2 =	simm.s32 @!p0 $0x1C01  }
0x6a: {  	[timem:s3], [sflag:s2] =	dma.local @!p0 [hbm:s0], s1  }
0x6b: {  	s0 =	simm.s32 @!p0 $0x1  }
0x6c: {  	_ =	swait.ge @!p0 [sflag:s0], s1  }
0x6d: {  	s1 =	ssub.s32 @!p0 $0x0, s1;
	[sflag:s0] =	ssyncset.done @!p0 $0x0  }
0x6e: {  	[sflag:s0] =	ssyncadd.s32 @!p0 s1  }
0x6f: {  	[bflag:$0x3] =	sbarrier.arrive $0xFFFF  }
0x70: {  	_ =	shalt  }

</sc_bundles>
